<compile_context>
chip_gen: v7x
topology: tpu7x:2x2x1
jax: 0.10.2.dev20260603
libtpu: 0.0.44.dev20260713+nightly
codegen_flags: <defaults>
</compile_context>

<pallas_src>
import functools

import jax
import jax.numpy as jnp
from jax import lax
from jax.experimental import pallas as pl
from jax.experimental.pallas import tpu as pltpu
from jax.experimental.pallas import tpu_sc as plsc

N = 10000
D = 128
E = 320000
NC = 2
NS = 16
NW = NC * NS
CH = 50
E_W = E // NW
CHUNKS = E_W // CH
G = 4
GRP = CHUNKS // G
ROW_STRIDE = 624
ROWS_T = 640
PZ = 40
NPC = ROWS_T // PZ


def _sc_gather_scatter(x, src_r, dst_r, zeros_b):
    mesh = plsc.VectorSubcoreMesh(core_axis_name="c", subcore_axis_name="s")

    @functools.partial(
        pl.kernel,
        out_type=(
            jax.ShapeDtypeStruct((NC, N, D), jnp.float32),
            jax.ShapeDtypeStruct((NC, N, D), jnp.float32),
        ),
        mesh=mesh,
        scratch_types=(
            pltpu.VMEM((CH, D), jnp.float32),
            pltpu.VMEM((G, CH), jnp.int32),
            pltpu.VMEM((G, CH), jnp.int32),
            pltpu.VMEM((G, CH), jnp.int32),
            pltpu.VMEM((G, CH), jnp.int32),
            pltpu.VMEM((CH, D), jnp.float32),
            pltpu.VMEM((CH, D), jnp.float32),
            pltpu.VMEM((CH, D), jnp.float32),
            pltpu.VMEM((CH, D), jnp.float32),
            pltpu.VMEM((PZ, D), jnp.float32),
            pltpu.VMEM_SHARED((N, D), jnp.float32),
            pltpu.SemaphoreType.DMA,
            pltpu.SemaphoreType.DMA,
            pltpu.SemaphoreType.DMA,
            pltpu.SemaphoreType.DMA,
            pltpu.SemaphoreType.DMA,
            pltpu.SemaphoreType.DMA,
            pltpu.SemaphoreType.DMA,
            pltpu.SemaphoreType.DMA,
            pltpu.SemaphoreType.DMA,
            pltpu.SemaphoreType.DMA,
            pltpu.SemaphoreType.DMA,
            pltpu.SemaphoreType.DMA,
        ),
    )
    def sc_fn(x_hbm, src_hbm, dst_hbm, z_hbm, ones_hbm, agg_out, deg_out,
              ones_v, sv0, sv1, dv0, dv1, b0, b1, b2, b3, bx, agg_sp,
              g0, g1, g2, g3, s0, s1, s2, s3, i0, i1, i2, i3):
        srcs = (sv0, sv1)
        dsts = (dv0, dv1)
        bufs = (b0, b1, b2, b3)
        gsems = (g0, g1, g2, g3)
        ssems = (s0, s1, s2, s3)
        isrc = (i0, i1)
        idst = (i2, i3)
        c = lax.axis_index("c")
        s = lax.axis_index("s")
        wid = c * NS + s
        r0 = s * ROW_STRIDE
        pltpu.sync_copy(z_hbm, bx)
        pltpu.sync_copy(ones_hbm, ones_v)

        @pl.loop(0, NPC)
        def _init(t):
            pltpu.sync_copy(bx, agg_sp.at[pl.ds(r0 + t * PZ, PZ)])

        plsc.subcore_barrier()

        pltpu.async_copy(src_hbm.at[wid, 0], sv0, i0)
        pltpu.async_copy(dst_hbm.at[wid, 0], dv0, i2)

        @pl.loop(0, GRP, step=2)
        def _group(k):
            for p in range(2):
                kk = k + p
                srcv, dstv = srcs[p], dsts[p]
                nsrcv, ndstv = srcs[1 - p], dsts[1 - p]
                pltpu.make_async_copy(src_hbm.at[wid, kk], srcv, isrc[p]).wait()
                pltpu.make_async_copy(dst_hbm.at[wid, kk], dstv, idst[p]).wait()
                gds = []
                for b in range(G):
                    @pl.when(kk >= 1)
                    def _drain_prev():
                        pltpu.make_async_copy(
                            bufs[b], agg_sp.at[dstv.at[b]], ssems[b]).wait()
                    gds.append(pltpu.async_copy(x_hbm.at[srcv.at[b]], bufs[b],
                                                gsems[b]))

                @pl.when(kk + 1 < GRP)
                def _prefetch():
                    pltpu.async_copy(src_hbm.at[wid, kk + 1], nsrcv, isrc[1 - p])
                    pltpu.async_copy(dst_hbm.at[wid, kk + 1], ndstv, idst[1 - p])

                for b in range(G):
                    gds[b].wait()
                    pltpu.async_copy(bufs[b], agg_sp.at[dstv.at[b]],
                                     ssems[b], add=True)

        for b in range(G):
            pltpu.make_async_copy(bufs[b], agg_sp.at[dsts[1].at[b]],
                                  ssems[b]).wait()
        plsc.subcore_barrier()

        @pl.loop(0, NPC)
        def _copyout(t):
            pc = pl.ds(r0 + t * PZ, PZ)
            pltpu.sync_copy(agg_sp.at[pc], bx)
            pltpu.sync_copy(bx, agg_out.at[c, pc])

        plsc.subcore_barrier()
        pltpu.sync_copy(z_hbm, bx)

        @pl.loop(0, NPC)
        def _init2(t):
            pltpu.sync_copy(bx, agg_sp.at[pl.ds(r0 + t * PZ, PZ)])

        plsc.subcore_barrier()
        pltpu.async_copy(dst_hbm.at[wid, 0], dv0, i2)

        @pl.loop(0, GRP, step=2)
        def _group2(k):
            for p in range(2):
                kk = k + p
                dstv, ndstv = dsts[p], dsts[1 - p]
                pltpu.make_async_copy(dst_hbm.at[wid, kk], dstv, idst[p]).wait()

                @pl.when(kk >= 1)
                def _drain2():
                    for b in range(G):
                        pltpu.make_async_copy(
                            ones_v, agg_sp.at[ndstv.at[b]], ssems[b]).wait()

                @pl.when(kk + 1 < GRP)
                def _prefetch2():
                    pltpu.async_copy(dst_hbm.at[wid, kk + 1], ndstv, idst[1 - p])

                for b in range(G):
                    pltpu.async_copy(ones_v, agg_sp.at[dstv.at[b]], ssems[b],
                                     add=True)

        for b in range(G):
            pltpu.make_async_copy(ones_v, agg_sp.at[dsts[1].at[b]],
                                  ssems[b]).wait()
        plsc.subcore_barrier()

        @pl.loop(0, NPC)
        def _copyout2(t):
            pc = pl.ds(r0 + t * PZ, PZ)
            pltpu.sync_copy(agg_sp.at[pc], bx)
            pltpu.sync_copy(bx, deg_out.at[c, pc])

    return sc_fn(x, src_r, dst_r, zeros_b, jnp.ones((CH, D), jnp.float32))


BLK = 1000
NBLK = N // BLK


def _tc_fused(x_ref, agg_ref, deg_ref, wl_ref, bl_ref, wr_ref,
              gw_ref, gb_ref, gms_ref, out_ref, h_s, st_s):
    p = pl.program_id(0)
    i = pl.program_id(1)

    @pl.when(p == 0)
    def _pass1():
        x = x_ref[...]
        agg = agg_ref[0] + agg_ref[1]
        deg = deg_ref[0, :, 0] + deg_ref[1, :, 0]
        inv = 1.0 / jnp.maximum(deg, 1.0)
        mean_agg = agg * inv[:, None]
        hi = jax.lax.Precision.HIGHEST
        h = lax.dot_general(mean_agg, wl_ref[...], (((1,), (1,)), ((), ())),
                            precision=hi, preferred_element_type=jnp.float32)
        h = h + lax.dot_general(x, wr_ref[...], (((1,), (1,)), ((), ())),
                                precision=hi, preferred_element_type=jnp.float32)
        h = h + bl_ref[...][None, :] + x
        h = jnp.maximum(h, 0.0)
        h_s[pl.ds(i * BLK, BLK), :] = h
        s1 = jnp.sum(h, axis=0, keepdims=True)
        s2 = jnp.sum(h * h, axis=0, keepdims=True)

        @pl.when(i == 0)
        def _set():
            st_s[0:1, :] = s1
            st_s[1:2, :] = s2

        @pl.when(i > 0)
        def _acc():
            st_s[0:1, :] = st_s[0:1, :] + s1
            st_s[1:2, :] = st_s[1:2, :] + s2

    @pl.when(p == 1)
    def _pass2():
        h = h_s[pl.ds(i * BLK, BLK), :]
        m = st_s[0, :] / N
        q = st_s[1, :] / N
        ms = gms_ref[...]
        var = q + m * m * ms * (ms - 2.0)
        scale = gw_ref[...] * lax.rsqrt(var + 1e-5)
        shift = gb_ref[...] - m * ms * scale
        out_ref[...] = h * scale[None, :] + shift[None, :]


def kernel(x, edge_index, W_l, b_l, W_r, gn_weight, gn_bias, gn_mean_scale):
    src_r = edge_index[0].reshape(NW, GRP, G, CH)
    dst_r = edge_index[1].reshape(NW, GRP, G, CH)
    zeros_b = jnp.zeros((PZ, D), jnp.float32)
    agg_parts, deg_parts = _sc_gather_scatter(x, src_r, dst_r, zeros_b)
    def _bi(p, i):
        return i * (1 - p) + (NBLK - 1) * p

    return pl.pallas_call(
        _tc_fused,
        grid=(2, NBLK),
        in_specs=[
            pl.BlockSpec((BLK, D), lambda p, i: (_bi(p, i), 0)),
            pl.BlockSpec((NC, BLK, D), lambda p, i: (0, _bi(p, i), 0)),
            pl.BlockSpec((NC, BLK, D), lambda p, i: (0, _bi(p, i), 0)),
            pl.BlockSpec((D, D), lambda p, i: (0, 0)),
            pl.BlockSpec((D,), lambda p, i: (0,)),
            pl.BlockSpec((D, D), lambda p, i: (0, 0)),
            pl.BlockSpec((D,), lambda p, i: (0,)),
            pl.BlockSpec((D,), lambda p, i: (0,)),
            pl.BlockSpec((D,), lambda p, i: (0,)),
        ],
        out_specs=pl.BlockSpec((BLK, D), lambda p, i: (i, 0)),
        out_shape=jax.ShapeDtypeStruct((N, D), jnp.float32),
        scratch_shapes=[
            pltpu.VMEM((N, D), jnp.float32),
            pltpu.VMEM((8, D), jnp.float32),
        ],
    )(x, agg_parts, deg_parts, W_l, b_l, W_r, gn_weight, gn_bias,
      gn_mean_scale)

# --- scband reference (transcript-rebuilt; emitter-appended) ---
"""Pipeline reference for scband-vision-model-33492154974606 (READ-ONLY COPY).

The authoritative reference and input builder live on the scoring server;
editing this copy changes nothing except your own understanding.
"""

import jax, jax.numpy as jnp
import numpy as np

N = 10000
E = 320000
D = 128


def setup_inputs(seed: int = 0) -> dict:
    key = jax.random.key(seed)
    ks = jax.random.split(key, 8)
    x = jax.random.normal(ks[0], (N, D), dtype=jnp.float32)
    edge_index = jax.random.randint(ks[1], (2, E), 0, N, dtype=jnp.int32)
    # SAGEConv parameters (lin_l with bias acts on aggregated neighbors; lin_r no bias on root)
    scale = 1.0 / np.sqrt(D)
    W_l = jax.random.normal(ks[2], (D, D), dtype=jnp.float32) * scale
    b_l = jnp.zeros((D,), dtype=jnp.float32)
    W_r = jax.random.normal(ks[3], (D, D), dtype=jnp.float32) * scale
    # GraphNorm (norm2) parameters: weight=1, bias=0, mean_scale=1 at init
    gn_weight = jnp.ones((D,), dtype=jnp.float32)
    gn_bias = jnp.zeros((D,), dtype=jnp.float32)
    gn_mean_scale = jnp.ones((D,), dtype=jnp.float32)
    return {"x": x, "edge_index": edge_index, "W_l": W_l, "b_l": b_l, "W_r": W_r,
            "gn_weight": gn_weight, "gn_bias": gn_bias, "gn_mean_scale": gn_mean_scale}


def _graph_norm(h, weight, bias, mean_scale, eps=1e-5):
    # PyG GraphNorm on a single graph: per-feature mean over nodes
    mean = jnp.mean(h, axis=0, keepdims=True)
    out = h - mean * mean_scale
    var = jnp.mean(out * out, axis=0, keepdims=True)
    return weight * out / jnp.sqrt(var + eps) + bias


def reference(x, edge_index, W_l, b_l, W_r, gn_weight, gn_bias, gn_mean_scale):
    # ResidualBlock.forward:
    #   h = norm1(x)            <- result discarded in the original code (dead computation)
    #   h = SAGEConv(x, edge_index)  (aggr='mean')
    #   h = x + h; h = relu(h); h = norm2(h)
    src = edge_index[0]
    dst = edge_index[1]
    # message = x_j gathered from source nodes, mean-aggregated at destination nodes
    msgs = jnp.take(x, src, axis=0)
    agg = jax.ops.segment_sum(msgs, dst, num_segments=N)
    deg = jax.ops.segment_sum(jnp.ones((E,), dtype=x.dtype), dst, num_segments=N)
    mean_agg = agg / jnp.clip(deg, 1.0, None)[:, None]
    h = mean_agg @ W_l.T + b_l + x @ W_r.T
    h = x + h
    h = jax.nn.relu(h)
    h = _graph_norm(h, gn_weight, gn_bias, gn_mean_scale)
    return h

if __name__ == "__main__":
    import jax
    _d = setup_inputs()
    print(jax.jit(kernel)(*tuple(_d.values())))

</pallas_src>

<mosaic_0001>
#map = affine_map<(d0, d1) -> (0, 0)>
#map1 = affine_map<(d0, d1) -> (0, 0, 0, 0)>
#map2 = affine_map<(d0, d1) -> (0, 0, 0)>
module attributes {stable_mosaic.version = 14 : i64} {
  func.func @sc_fn(%arg0: i32, %arg1: i32, %arg2: memref<10000x128xf32, #tpu.memory_space<hbm>>, %arg3: memref<32x50x4x50xi32, #tpu.memory_space<hbm>>, %arg4: memref<32x50x4x50xi32, #tpu.memory_space<hbm>>, %arg5: memref<40x128xf32, #tpu.memory_space<hbm>>, %arg6: memref<50x128xf32, #tpu.memory_space<hbm>>, %arg7: memref<2x10000x128xf32, #tpu.memory_space<hbm>>, %arg8: memref<2x10000x128xf32, #tpu.memory_space<hbm>>, %arg9: memref<50x128xf32, #tpu.memory_space<vmem>>, %arg10: memref<4x50xi32, #tpu.memory_space<vmem>>, %arg11: memref<4x50xi32, #tpu.memory_space<vmem>>, %arg12: memref<4x50xi32, #tpu.memory_space<vmem>>, %arg13: memref<4x50xi32, #tpu.memory_space<vmem>>, %arg14: memref<50x128xf32, #tpu.memory_space<vmem>>, %arg15: memref<50x128xf32, #tpu.memory_space<vmem>>, %arg16: memref<50x128xf32, #tpu.memory_space<vmem>>, %arg17: memref<50x128xf32, #tpu.memory_space<vmem>>, %arg18: memref<40x128xf32, #tpu.memory_space<vmem>>, %arg19: memref<10000x128xf32, #tpu.memory_space<vmem_shared>>, %arg20: memref<!tpu.dma_semaphore, #tpu.memory_space<semaphore_mem>>, %arg21: memref<!tpu.dma_semaphore, #tpu.memory_space<semaphore_mem>>, %arg22: memref<!tpu.dma_semaphore, #tpu.memory_space<semaphore_mem>>, %arg23: memref<!tpu.dma_semaphore, #tpu.memory_space<semaphore_mem>>, %arg24: memref<!tpu.dma_semaphore, #tpu.memory_space<semaphore_mem>>, %arg25: memref<!tpu.dma_semaphore, #tpu.memory_space<semaphore_mem>>, %arg26: memref<!tpu.dma_semaphore, #tpu.memory_space<semaphore_mem>>, %arg27: memref<!tpu.dma_semaphore, #tpu.memory_space<semaphore_mem>>, %arg28: memref<!tpu.dma_semaphore, #tpu.memory_space<semaphore_mem>>, %arg29: memref<!tpu.dma_semaphore, #tpu.memory_space<semaphore_mem>>, %arg30: memref<!tpu.dma_semaphore, #tpu.memory_space<semaphore_mem>>, %arg31: memref<!tpu.dma_semaphore, #tpu.memory_space<semaphore_mem>>) attributes {dimension_semantics = [#tpu.dimension_semantics<core_parallel>, #tpu.dimension_semantics<subcore_parallel>], iteration_bounds = array<i64: 2, 16>, scalar_prefetch = 0 : i64, scratch_operands = 23 : i64, tpu.core_type = #tpu.core_type<sc_vector_subcore>, window_params = [{transform_indices = #map}, {transform_indices = #map1}, {transform_indices = #map1}, {transform_indices = #map}, {transform_indices = #map}, {transform_indices = #map2}, {transform_indices = #map2}]} {
    %mul3A = arith.constant 16 : i32
    %mul3A_0 = arith.muli %arg0, %mul3A : i32
    %add3A = arith.addi %mul3A_0, %arg1 : i32
    %mul3A_1 = arith.constant 624 : i32
    %mul3A_2 = arith.muli %arg1, %mul3A_1 : i32
    "tpu.region"() ({
      %run_scoped3A = tpu.sem_alloc : memref<!tpu.dma_semaphore, #tpu.memory_space<semaphore_mem>>
      tpu.enqueue_dma source(%arg5 : memref<40x128xf32, #tpu.memory_space<hbm>>) target(%arg18 : memref<40x128xf32, #tpu.memory_space<vmem>>) target_semaphore(%run_scoped3A : memref<!tpu.dma_semaphore, #tpu.memory_space<semaphore_mem>>)
      tpu.wait_dma2 semaphore(%run_scoped3A : memref<!tpu.dma_semaphore, #tpu.memory_space<semaphore_mem>>) src(%arg5 : memref<40x128xf32, #tpu.memory_space<hbm>>) dst(%arg18 : memref<40x128xf32, #tpu.memory_space<vmem>>)
      tpu.yield
    }) : () -> ()
    "tpu.region"() ({
      %run_scoped3A = tpu.sem_alloc : memref<!tpu.dma_semaphore, #tpu.memory_space<semaphore_mem>>
      tpu.enqueue_dma source(%arg6 : memref<50x128xf32, #tpu.memory_space<hbm>>) target(%arg9 : memref<50x128xf32, #tpu.memory_space<vmem>>) target_semaphore(%run_scoped3A : memref<!tpu.dma_semaphore, #tpu.memory_space<semaphore_mem>>)
      tpu.wait_dma2 semaphore(%run_scoped3A : memref<!tpu.dma_semaphore, #tpu.memory_space<semaphore_mem>>) src(%arg6 : memref<50x128xf32, #tpu.memory_space<hbm>>) dst(%arg9 : memref<50x128xf32, #tpu.memory_space<vmem>>)
      tpu.yield
    }) : () -> ()
    %scan3A = arith.constant 0 : i32
    %scan3A_3 = arith.constant 16 : i32
    %scan3A_4 = arith.addi %scan3A, %scan3A_3 : i32
    %scan3A_5 = arith.constant 1 : i32
    scf.for %scan3A_117 = %scan3A to %scan3A_4 step %scan3A_5  : i32 {
      %mul3A_118 = arith.constant 1 : i32
      %mul3A_119 = arith.muli %scan3A_117, %mul3A_118 : i32
      %add3A_120 = arith.constant 0 : i32
      %add3A_121 = arith.addi %add3A_120, %mul3A_119 : i32
      %mul3A_122 = arith.constant 40 : i32
      %mul3A_123 = arith.muli %add3A_121, %mul3A_122 : i32
      %add3A_124 = arith.addi %mul3A_2, %mul3A_123 : i32
      "tpu.region"() ({
        %run_scoped3A = tpu.sem_alloc : memref<!tpu.dma_semaphore, #tpu.memory_space<semaphore_mem>>
        %dma_start3A_125 = arith.constant 0 : i32
        %dma_start3A_126 = tpu.memref_slice %arg19[%add3A_124, %dma_start3A_125] : memref<10000x128xf32, #tpu.memory_space<vmem_shared>> -> memref<40x128xf32, #tpu.memory_space<vmem_shared>>
        %dma_start3A_127 = arith.constant 0 : i32
        %dma_start3A_128 = tpu.memref_slice %arg19[%add3A_124, %dma_start3A_127] : memref<10000x128xf32, #tpu.memory_space<vmem_shared>> -> memref<40x128xf32, #tpu.memory_space<vmem_shared>>
        tpu.enqueue_dma source(%arg18 : memref<40x128xf32, #tpu.memory_space<vmem>>) target(%dma_start3A_128 : memref<40x128xf32, #tpu.memory_space<vmem_shared>>) target_semaphore(%run_scoped3A : memref<!tpu.dma_semaphore, #tpu.memory_space<semaphore_mem>>)
        %dma_wait3A_129 = arith.constant 0 : i32
        %dma_wait3A_130 = tpu.memref_slice %arg19[%add3A_124, %dma_wait3A_129] : memref<10000x128xf32, #tpu.memory_space<vmem_shared>> -> memref<40x128xf32, #tpu.memory_space<vmem_shared>>
        %dma_wait3A_131 = arith.constant 0 : i32
        %dma_wait3A_132 = tpu.memref_slice %arg19[%add3A_124, %dma_wait3A_131] : memref<10000x128xf32, #tpu.memory_space<vmem_shared>> -> memref<40x128xf32, #tpu.memory_space<vmem_shared>>
        tpu.wait_dma2 semaphore(%run_scoped3A : memref<!tpu.dma_semaphore, #tpu.memory_space<semaphore_mem>>) src(%arg18 : memref<40x128xf32, #tpu.memory_space<vmem>>) dst(%dma_wait3A_132 : memref<40x128xf32, #tpu.memory_space<vmem_shared>>)
        tpu.yield
      }) : () -> ()
    }
    %scan3A_6 = arith.constant 16 : i32
    %barrier3A = arith.constant 0 : index
    tpu.barrier barrier_id(%barrier3A)
    %dma_start3A = arith.constant 0 : i32
    %dma_start3A_7 = arith.constant 0 : i32
    %dma_start3A_8 = arith.constant 0 : i32
    %dma_start3A_9 = tpu.memref_slice %arg3[%add3A, %dma_start3A, %dma_start3A_7, %dma_start3A_8] : memref<32x50x4x50xi32, #tpu.memory_space<hbm>> -> memref<1x1x4x50xi32, #tpu.memory_space<hbm>>
    %dma_start3A_10 = tpu.memref_squeeze %dma_start3A_9 : memref<1x1x4x50xi32, #tpu.memory_space<hbm>> -> memref<4x50xi32, #tpu.memory_space<hbm>>
    %dma_start3A_11 = arith.constant 0 : i32
    %dma_start3A_12 = arith.constant 0 : i32
    %dma_start3A_13 = tpu.memref_slice %arg3[%add3A, %dma_start3A, %dma_start3A_11, %dma_start3A_12] : memref<32x50x4x50xi32, #tpu.memory_space<hbm>> -> memref<1x1x4x50xi32, #tpu.memory_space<hbm>>
    %dma_start3A_14 = tpu.memref_squeeze %dma_start3A_13 : memref<1x1x4x50xi32, #tpu.memory_space<hbm>> -> memref<4x50xi32, #tpu.memory_space<hbm>>
    tpu.enqueue_dma source(%dma_start3A_14 : memref<4x50xi32, #tpu.memory_space<hbm>>) target(%arg10 : memref<4x50xi32, #tpu.memory_space<vmem>>) target_semaphore(%arg28 : memref<!tpu.dma_semaphore, #tpu.memory_space<semaphore_mem>>)
    %dma_start3A_15 = arith.constant 0 : i32
    %dma_start3A_16 = arith.constant 0 : i32
    %dma_start3A_17 = arith.constant 0 : i32
    %dma_start3A_18 = tpu.memref_slice %arg4[%add3A, %dma_start3A_15, %dma_start3A_16, %dma_start3A_17] : memref<32x50x4x50xi32, #tpu.memory_space<hbm>> -> memref<1x1x4x50xi32, #tpu.memory_space<hbm>>
    %dma_start3A_19 = tpu.memref_squeeze %dma_start3A_18 : memref<1x1x4x50xi32, #tpu.memory_space<hbm>> -> memref<4x50xi32, #tpu.memory_space<hbm>>
    %dma_start3A_20 = arith.constant 0 : i32
    %dma_start3A_21 = arith.constant 0 : i32
    %dma_start3A_22 = tpu.memref_slice %arg4[%add3A, %dma_start3A_15, %dma_start3A_20, %dma_start3A_21] : memref<32x50x4x50xi32, #tpu.memory_space<hbm>> -> memref<1x1x4x50xi32, #tpu.memory_space<hbm>>
    %dma_start3A_23 = tpu.memref_squeeze %dma_start3A_22 : memref<1x1x4x50xi32, #tpu.memory_space<hbm>> -> memref<4x50xi32, #tpu.memory_space<hbm>>
    tpu.enqueue_dma source(%dma_start3A_23 : memref<4x50xi32, #tpu.memory_space<hbm>>) target(%arg12 : memref<4x50xi32, #tpu.memory_space<vmem>>) target_semaphore(%arg30 : memref<!tpu.dma_semaphore, #tpu.memory_space<semaphore_mem>>)
    %scan3A_24 = arith.constant 0 : i32
    %scan3A_25 = arith.constant 25 : i32
    %scan3A_26 = arith.addi %scan3A_24, %scan3A_25 : i32
    %scan3A_27 = arith.constant 1 : i32
    scf.for %scan3A_117 = %scan3A_24 to %scan3A_26 step %scan3A_27  : i32 {
      %mul3A_118 = arith.constant 2 : i32
      %mul3A_119 = arith.muli %scan3A_117, %mul3A_118 : i32
      %add3A_120 = arith.constant 0 : i32
      %add3A_121 = arith.addi %add3A_120, %mul3A_119 : i32
      %add3A_122 = arith.constant 0 : i32
      %add3A_123 = arith.addi %add3A_121, %add3A_122 : i32
      %dma_wait3A_124 = arith.constant 0 : i32
      %dma_wait3A_125 = arith.constant 0 : i32
      %dma_wait3A_126 = tpu.memref_slice %arg3[%add3A, %add3A_123, %dma_wait3A_124, %dma_wait3A_125] : memref<32x50x4x50xi32, #tpu.memory_space<hbm>> -> memref<1x1x4x50xi32, #tpu.memory_space<hbm>>
      %dma_wait3A_127 = tpu.memref_squeeze %dma_wait3A_126 : memref<1x1x4x50xi32, #tpu.memory_space<hbm>> -> memref<4x50xi32, #tpu.memory_space<hbm>>
      %dma_wait3A_128 = arith.constant 0 : i32
      %dma_wait3A_129 = arith.constant 0 : i32
      %dma_wait3A_130 = tpu.memref_slice %arg3[%add3A, %add3A_123, %dma_wait3A_128, %dma_wait3A_129] : memref<32x50x4x50xi32, #tpu.memory_space<hbm>> -> memref<1x1x4x50xi32, #tpu.memory_space<hbm>>
      %dma_wait3A_131 = tpu.memref_squeeze %dma_wait3A_130 : memref<1x1x4x50xi32, #tpu.memory_space<hbm>> -> memref<4x50xi32, #tpu.memory_space<hbm>>
      tpu.wait_dma2 semaphore(%arg28 : memref<!tpu.dma_semaphore, #tpu.memory_space<semaphore_mem>>) src(%dma_wait3A_131 : memref<4x50xi32, #tpu.memory_space<hbm>>) dst(%arg10 : memref<4x50xi32, #tpu.memory_space<vmem>>)
      %dma_wait3A_132 = arith.constant 0 : i32
      %dma_wait3A_133 = arith.constant 0 : i32
      %dma_wait3A_134 = tpu.memref_slice %arg4[%add3A, %add3A_123, %dma_wait3A_132, %dma_wait3A_133] : memref<32x50x4x50xi32, #tpu.memory_space<hbm>> -> memref<1x1x4x50xi32, #tpu.memory_space<hbm>>
      %dma_wait3A_135 = tpu.memref_squeeze %dma_wait3A_134 : memref<1x1x4x50xi32, #tpu.memory_space<hbm>> -> memref<4x50xi32, #tpu.memory_space<hbm>>
      %dma_wait3A_136 = arith.constant 0 : i32
      %dma_wait3A_137 = arith.constant 0 : i32
      %dma_wait3A_138 = tpu.memref_slice %arg4[%add3A, %add3A_123, %dma_wait3A_136, %dma_wait3A_137] : memref<32x50x4x50xi32, #tpu.memory_space<hbm>> -> memref<1x1x4x50xi32, #tpu.memory_space<hbm>>
      %dma_wait3A_139 = tpu.memref_squeeze %dma_wait3A_138 : memref<1x1x4x50xi32, #tpu.memory_space<hbm>> -> memref<4x50xi32, #tpu.memory_space<hbm>>
      tpu.wait_dma2 semaphore(%arg30 : memref<!tpu.dma_semaphore, #tpu.memory_space<semaphore_mem>>) src(%dma_wait3A_139 : memref<4x50xi32, #tpu.memory_space<hbm>>) dst(%arg12 : memref<4x50xi32, #tpu.memory_space<vmem>>)
      %ge3A = arith.constant 1 : i32
      %ge3A_140 = arith.cmpi sge, %add3A_123, %ge3A : i32
      %convert_element_type3A = arith.extui %ge3A_140 : i1 to i32
      %cond3A = arith.constant 0 : i32
      %cond3A_141 = arith.cmpi ne, %convert_element_type3A, %cond3A : i32
      scf.if %cond3A_141 {
        %dma_wait3A_376 = arith.constant 0 : i32
        %dma_wait3A_377 = arith.constant 0 : i32
        %dma_wait3A_378 = tpu.memref_slice %arg12[%dma_wait3A_376, %dma_wait3A_377] : memref<4x50xi32, #tpu.memory_space<vmem>> -> memref<1x50xi32, #tpu.memory_space<vmem>>
        %dma_wait3A_379 = tpu.memref_squeeze %dma_wait3A_378 : memref<1x50xi32, #tpu.memory_space<vmem>> -> memref<50xi32, #tpu.memory_space<vmem>>
        %dma_wait3A_380 = arith.constant 0 : i32
        %dma_wait3A_381 = arith.constant 0 : i32
        %dma_wait3A_382 = tpu.memref_slice %arg19[%dma_wait3A_380, %dma_wait3A_381] : memref<10000x128xf32, #tpu.memory_space<vmem_shared>> -> memref<10000x128xf32, #tpu.memory_space<vmem_shared>>
        tpu.wait_indirect_dma semaphore(%arg24 : memref<!tpu.dma_semaphore, #tpu.memory_space<semaphore_mem>>) src(%arg14 : memref<50x128xf32, #tpu.memory_space<vmem>>) dst(%dma_wait3A_382 : memref<10000x128xf32, #tpu.memory_space<vmem_shared>>)
      } else {
      }
      %dma_start3A_142 = arith.constant 0 : i32
      %dma_start3A_143 = arith.constant 0 : i32
      %dma_start3A_144 = tpu.memref_slice %arg10[%dma_start3A_142, %dma_start3A_143] : memref<4x50xi32, #tpu.memory_space<vmem>> -> memref<1x50xi32, #tpu.memory_space<vmem>>
      %dma_start3A_145 = tpu.memref_squeeze %dma_start3A_144 : memref<1x50xi32, #tpu.memory_space<vmem>> -> memref<50xi32, #tpu.memory_space<vmem>>
      %dma_start3A_146 = arith.constant 0 : i32
      %dma_start3A_147 = arith.constant 0 : i32
      %dma_start3A_148 = tpu.memref_slice %arg2[%dma_start3A_146, %dma_start3A_147] : memref<10000x128xf32, #tpu.memory_space<hbm>> -> memref<10000x128xf32, #tpu.memory_space<hbm>>
      tpu.enqueue_indirect_dma source(%dma_start3A_148 : memref<10000x128xf32, #tpu.memory_space<hbm>>) target(%arg14 : memref<50x128xf32, #tpu.memory_space<vmem>>) offsets(%dma_start3A_145 : memref<50xi32, #tpu.memory_space<vmem>>) semaphore(%arg20 : memref<!tpu.dma_semaphore, #tpu.memory_space<semaphore_mem>>)
      %ge3A_149 = arith.constant 1 : i32
      %ge3A_150 = arith.cmpi sge, %add3A_123, %ge3A_149 : i32
      %convert_element_type3A_151 = arith.extui %ge3A_150 : i1 to i32
      %cond3A_152 = arith.constant 0 : i32
      %cond3A_153 = arith.cmpi ne, %convert_element_type3A_151, %cond3A_152 : i32
      scf.if %cond3A_153 {
        %dma_wait3A_376 = arith.constant 1 : i32
        %dma_wait3A_377 = arith.constant 0 : i32
        %dma_wait3A_378 = tpu.memref_slice %arg12[%dma_wait3A_376, %dma_wait3A_377] : memref<4x50xi32, #tpu.memory_space<vmem>> -> memref<1x50xi32, #tpu.memory_space<vmem>>
        %dma_wait3A_379 = tpu.memref_squeeze %dma_wait3A_378 : memref<1x50xi32, #tpu.memory_space<vmem>> -> memref<50xi32, #tpu.memory_space<vmem>>
        %dma_wait3A_380 = arith.constant 0 : i32
        %dma_wait3A_381 = arith.constant 0 : i32
        %dma_wait3A_382 = tpu.memref_slice %arg19[%dma_wait3A_380, %dma_wait3A_381] : memref<10000x128xf32, #tpu.memory_space<vmem_shared>> -> memref<10000x128xf32, #tpu.memory_space<vmem_shared>>
        tpu.wait_indirect_dma semaphore(%arg25 : memref<!tpu.dma_semaphore, #tpu.memory_space<semaphore_mem>>) src(%arg15 : memref<50x128xf32, #tpu.memory_space<vmem>>) dst(%dma_wait3A_382 : memref<10000x128xf32, #tpu.memory_space<vmem_shared>>)
      } else {
      }
      %dma_start3A_154 = arith.constant 1 : i32
      %dma_start3A_155 = arith.constant 0 : i32
      %dma_start3A_156 = tpu.memref_slice %arg10[%dma_start3A_154, %dma_start3A_155] : memref<4x50xi32, #tpu.memory_space<vmem>> -> memref<1x50xi32, #tpu.memory_space<vmem>>
      %dma_start3A_157 = tpu.memref_squeeze %dma_start3A_156 : memref<1x50xi32, #tpu.memory_space<vmem>> -> memref<50xi32, #tpu.memory_space<vmem>>
      %dma_start3A_158 = arith.constant 0 : i32
      %dma_start3A_159 = arith.constant 0 : i32
      %dma_start3A_160 = tpu.memref_slice %arg2[%dma_start3A_158, %dma_start3A_159] : memref<10000x128xf32, #tpu.memory_space<hbm>> -> memref<10000x128xf32, #tpu.memory_space<hbm>>
      tpu.enqueue_indirect_dma source(%dma_start3A_160 : memref<10000x128xf32, #tpu.memory_space<hbm>>) target(%arg15 : memref<50x128xf32, #tpu.memory_space<vmem>>) offsets(%dma_start3A_157 : memref<50xi32, #tpu.memory_space<vmem>>) semaphore(%arg21 : memref<!tpu.dma_semaphore, #tpu.memory_space<semaphore_mem>>)
      %ge3A_161 = arith.constant 1 : i32
      %ge3A_162 = arith.cmpi sge, %add3A_123, %ge3A_161 : i32
      %convert_element_type3A_163 = arith.extui %ge3A_162 : i1 to i32
      %cond3A_164 = arith.constant 0 : i32
      %cond3A_165 = arith.cmpi ne, %convert_element_type3A_163, %cond3A_164 : i32
      scf.if %cond3A_165 {
        %dma_wait3A_376 = arith.constant 2 : i32
        %dma_wait3A_377 = arith.constant 0 : i32
        %dma_wait3A_378 = tpu.memref_slice %arg12[%dma_wait3A_376, %dma_wait3A_377] : memref<4x50xi32, #tpu.memory_space<vmem>> -> memref<1x50xi32, #tpu.memory_space<vmem>>
        %dma_wait3A_379 = tpu.memref_squeeze %dma_wait3A_378 : memref<1x50xi32, #tpu.memory_space<vmem>> -> memref<50xi32, #tpu.memory_space<vmem>>
        %dma_wait3A_380 = arith.constant 0 : i32
        %dma_wait3A_381 = arith.constant 0 : i32
        %dma_wait3A_382 = tpu.memref_slice %arg19[%dma_wait3A_380, %dma_wait3A_381] : memref<10000x128xf32, #tpu.memory_space<vmem_shared>> -> memref<10000x128xf32, #tpu.memory_space<vmem_shared>>
        tpu.wait_indirect_dma semaphore(%arg26 : memref<!tpu.dma_semaphore, #tpu.memory_space<semaphore_mem>>) src(%arg16 : memref<50x128xf32, #tpu.memory_space<vmem>>) dst(%dma_wait3A_382 : memref<10000x128xf32, #tpu.memory_space<vmem_shared>>)
      } else {
      }
      %dma_start3A_166 = arith.constant 2 : i32
      %dma_start3A_167 = arith.constant 0 : i32
      %dma_start3A_168 = tpu.memref_slice %arg10[%dma_start3A_166, %dma_start3A_167] : memref<4x50xi32, #tpu.memory_space<vmem>> -> memref<1x50xi32, #tpu.memory_space<vmem>>
      %dma_start3A_169 = tpu.memref_squeeze %dma_start3A_168 : memref<1x50xi32, #tpu.memory_space<vmem>> -> memref<50xi32, #tpu.memory_space<vmem>>
      %dma_start3A_170 = arith.constant 0 : i32
      %dma_start3A_171 = arith.constant 0 : i32
      %dma_start3A_172 = tpu.memref_slice %arg2[%dma_start3A_170, %dma_start3A_171] : memref<10000x128xf32, #tpu.memory_space<hbm>> -> memref<10000x128xf32, #tpu.memory_space<hbm>>
      tpu.enqueue_indirect_dma source(%dma_start3A_172 : memref<10000x128xf32, #tpu.memory_space<hbm>>) target(%arg16 : memref<50x128xf32, #tpu.memory_space<vmem>>) offsets(%dma_start3A_169 : memref<50xi32, #tpu.memory_space<vmem>>) semaphore(%arg22 : memref<!tpu.dma_semaphore, #tpu.memory_space<semaphore_mem>>)
      %ge3A_173 = arith.constant 1 : i32
      %ge3A_174 = arith.cmpi sge, %add3A_123, %ge3A_173 : i32
      %convert_element_type3A_175 = arith.extui %ge3A_174 : i1 to i32
      %cond3A_176 = arith.constant 0 : i32
      %cond3A_177 = arith.cmpi ne, %convert_element_type3A_175, %cond3A_176 : i32
      scf.if %cond3A_177 {
        %dma_wait3A_376 = arith.constant 3 : i32
        %dma_wait3A_377 = arith.constant 0 : i32
        %dma_wait3A_378 = tpu.memref_slice %arg12[%dma_wait3A_376, %dma_wait3A_377] : memref<4x50xi32, #tpu.memory_space<vmem>> -> memref<1x50xi32, #tpu.memory_space<vmem>>
        %dma_wait3A_379 = tpu.memref_squeeze %dma_wait3A_378 : memref<1x50xi32, #tpu.memory_space<vmem>> -> memref<50xi32, #tpu.memory_space<vmem>>
        %dma_wait3A_380 = arith.constant 0 : i32
        %dma_wait3A_381 = arith.constant 0 : i32
        %dma_wait3A_382 = tpu.memref_slice %arg19[%dma_wait3A_380, %dma_wait3A_381] : memref<10000x128xf32, #tpu.memory_space<vmem_shared>> -> memref<10000x128xf32, #tpu.memory_space<vmem_shared>>
        tpu.wait_indirect_dma semaphore(%arg27 : memref<!tpu.dma_semaphore, #tpu.memory_space<semaphore_mem>>) src(%arg17 : memref<50x128xf32, #tpu.memory_space<vmem>>) dst(%dma_wait3A_382 : memref<10000x128xf32, #tpu.memory_space<vmem_shared>>)
      } else {
      }
      %dma_start3A_178 = arith.constant 3 : i32
      %dma_start3A_179 = arith.constant 0 : i32
      %dma_start3A_180 = tpu.memref_slice %arg10[%dma_start3A_178, %dma_start3A_179] : memref<4x50xi32, #tpu.memory_space<vmem>> -> memref<1x50xi32, #tpu.memory_space<vmem>>
      %dma_start3A_181 = tpu.memref_squeeze %dma_start3A_180 : memref<1x50xi32, #tpu.memory_space<vmem>> -> memref<50xi32, #tpu.memory_space<vmem>>
      %dma_start3A_182 = arith.constant 0 : i32
      %dma_start3A_183 = arith.constant 0 : i32
      %dma_start3A_184 = tpu.memref_slice %arg2[%dma_start3A_182, %dma_start3A_183] : memref<10000x128xf32, #tpu.memory_space<hbm>> -> memref<10000x128xf32, #tpu.memory_space<hbm>>
      tpu.enqueue_indirect_dma source(%dma_start3A_184 : memref<10000x128xf32, #tpu.memory_space<hbm>>) target(%arg17 : memref<50x128xf32, #tpu.memory_space<vmem>>) offsets(%dma_start3A_181 : memref<50xi32, #tpu.memory_space<vmem>>) semaphore(%arg23 : memref<!tpu.dma_semaphore, #tpu.memory_space<semaphore_mem>>)
      %add3A_185 = arith.constant 1 : i32
      %add3A_186 = arith.addi %add3A_123, %add3A_185 : i32
      %lt3A = arith.constant 50 : i32
      %lt3A_187 = arith.cmpi slt, %add3A_186, %lt3A : i32
      %convert_element_type3A_188 = arith.extui %lt3A_187 : i1 to i32
      %cond3A_189 = arith.constant 0 : i32
      %cond3A_190 = arith.cmpi ne, %convert_element_type3A_188, %cond3A_189 : i32
      scf.if %cond3A_190 {
        %add3A_376 = arith.constant 1 : i32
        %add3A_377 = arith.addi %add3A_123, %add3A_376 : i32
        %dma_start3A_378 = arith.constant 0 : i32
        %dma_start3A_379 = arith.constant 0 : i32
        %dma_start3A_380 = tpu.memref_slice %arg3[%add3A, %add3A_377, %dma_start3A_378, %dma_start3A_379] : memref<32x50x4x50xi32, #tpu.memory_space<hbm>> -> memref<1x1x4x50xi32, #tpu.memory_space<hbm>>
        %dma_start3A_381 = tpu.memref_squeeze %dma_start3A_380 : memref<1x1x4x50xi32, #tpu.memory_space<hbm>> -> memref<4x50xi32, #tpu.memory_space<hbm>>
        %dma_start3A_382 = arith.constant 0 : i32
        %dma_start3A_383 = arith.constant 0 : i32
        %dma_start3A_384 = tpu.memref_slice %arg3[%add3A, %add3A_377, %dma_start3A_382, %dma_start3A_383] : memref<32x50x4x50xi32, #tpu.memory_space<hbm>> -> memref<1x1x4x50xi32, #tpu.memory_space<hbm>>
        %dma_start3A_385 = tpu.memref_squeeze %dma_start3A_384 : memref<1x1x4x50xi32, #tpu.memory_space<hbm>> -> memref<4x50xi32, #tpu.memory_space<hbm>>
        tpu.enqueue_dma source(%dma_start3A_385 : memref<4x50xi32, #tpu.memory_space<hbm>>) target(%arg11 : memref<4x50xi32, #tpu.memory_space<vmem>>) target_semaphore(%arg29 : memref<!tpu.dma_semaphore, #tpu.memory_space<semaphore_mem>>)
        %add3A_386 = arith.constant 1 : i32
        %add3A_387 = arith.addi %add3A_123, %add3A_386 : i32
        %dma_start3A_388 = arith.constant 0 : i32
        %dma_start3A_389 = arith.constant 0 : i32
        %dma_start3A_390 = tpu.memref_slice %arg4[%add3A, %add3A_387, %dma_start3A_388, %dma_start3A_389] : memref<32x50x4x50xi32, #tpu.memory_space<hbm>> -> memref<1x1x4x50xi32, #tpu.memory_space<hbm>>
        %dma_start3A_391 = tpu.memref_squeeze %dma_start3A_390 : memref<1x1x4x50xi32, #tpu.memory_space<hbm>> -> memref<4x50xi32, #tpu.memory_space<hbm>>
        %dma_start3A_392 = arith.constant 0 : i32
        %dma_start3A_393 = arith.constant 0 : i32
        %dma_start3A_394 = tpu.memref_slice %arg4[%add3A, %add3A_387, %dma_start3A_392, %dma_start3A_393] : memref<32x50x4x50xi32, #tpu.memory_space<hbm>> -> memref<1x1x4x50xi32, #tpu.memory_space<hbm>>
        %dma_start3A_395 = tpu.memref_squeeze %dma_start3A_394 : memref<1x1x4x50xi32, #tpu.memory_space<hbm>> -> memref<4x50xi32, #tpu.memory_space<hbm>>
        tpu.enqueue_dma source(%dma_start3A_395 : memref<4x50xi32, #tpu.memory_space<hbm>>) target(%arg13 : memref<4x50xi32, #tpu.memory_space<vmem>>) target_semaphore(%arg31 : memref<!tpu.dma_semaphore, #tpu.memory_space<semaphore_mem>>)
      } else {
      }
      %dma_wait3A_191 = arith.constant 0 : i32
      %dma_wait3A_192 = arith.constant 0 : i32
      %dma_wait3A_193 = tpu.memref_slice %arg10[%dma_wait3A_191, %dma_wait3A_192] : memref<4x50xi32, #tpu.memory_space<vmem>> -> memref<1x50xi32, #tpu.memory_space<vmem>>
      %dma_wait3A_194 = tpu.memref_squeeze %dma_wait3A_193 : memref<1x50xi32, #tpu.memory_space<vmem>> -> memref<50xi32, #tpu.memory_space<vmem>>
      %dma_wait3A_195 = arith.constant 0 : i32
      %dma_wait3A_196 = arith.constant 0 : i32
      %dma_wait3A_197 = tpu.memref_slice %arg2[%dma_wait3A_195, %dma_wait3A_196] : memref<10000x128xf32, #tpu.memory_space<hbm>> -> memref<10000x128xf32, #tpu.memory_space<hbm>>
      tpu.wait_indirect_dma semaphore(%arg20 : memref<!tpu.dma_semaphore, #tpu.memory_space<semaphore_mem>>) src(%dma_wait3A_197 : memref<10000x128xf32, #tpu.memory_space<hbm>>) dst(%arg14 : memref<50x128xf32, #tpu.memory_space<vmem>>)
      %dma_start3A_198 = arith.constant 0 : i32
      %dma_start3A_199 = arith.constant 0 : i32
      %dma_start3A_200 = tpu.memref_slice %arg12[%dma_start3A_198, %dma_start3A_199] : memref<4x50xi32, #tpu.memory_space<vmem>> -> memref<1x50xi32, #tpu.memory_space<vmem>>
      %dma_start3A_201 = tpu.memref_squeeze %dma_start3A_200 : memref<1x50xi32, #tpu.memory_space<vmem>> -> memref<50xi32, #tpu.memory_space<vmem>>
      %dma_start3A_202 = arith.constant 0 : i32
      %dma_start3A_203 = arith.constant 0 : i32
      %dma_start3A_204 = tpu.memref_slice %arg19[%dma_start3A_202, %dma_start3A_203] : memref<10000x128xf32, #tpu.memory_space<vmem_shared>> -> memref<10000x128xf32, #tpu.memory_space<vmem_shared>>
      tpu.enqueue_indirect_dma source(%arg14 : memref<50x128xf32, #tpu.memory_space<vmem>>) target(%dma_start3A_204 : memref<10000x128xf32, #tpu.memory_space<vmem_shared>>) offsets(%dma_start3A_201 : memref<50xi32, #tpu.memory_space<vmem>>) semaphore(%arg24 : memref<!tpu.dma_semaphore, #tpu.memory_space<semaphore_mem>>) {add = true}
      %dma_wait3A_205 = arith.constant 1 : i32
      %dma_wait3A_206 = arith.constant 0 : i32
      %dma_wait3A_207 = tpu.memref_slice %arg10[%dma_wait3A_205, %dma_wait3A_206] : memref<4x50xi32, #tpu.memory_space<vmem>> -> memref<1x50xi32, #tpu.memory_space<vmem>>
      %dma_wait3A_208 = tpu.memref_squeeze %dma_wait3A_207 : memref<1x50xi32, #tpu.memory_space<vmem>> -> memref<50xi32, #tpu.memory_space<vmem>>
      %dma_wait3A_209 = arith.constant 0 : i32
      %dma_wait3A_210 = arith.constant 0 : i32
      %dma_wait3A_211 = tpu.memref_slice %arg2[%dma_wait3A_209, %dma_wait3A_210] : memref<10000x128xf32, #tpu.memory_space<hbm>> -> memref<10000x128xf32, #tpu.memory_space<hbm>>
      tpu.wait_indirect_dma semaphore(%arg21 : memref<!tpu.dma_semaphore, #tpu.memory_space<semaphore_mem>>) src(%dma_wait3A_211 : memref<10000x128xf32, #tpu.memory_space<hbm>>) dst(%arg15 : memref<50x128xf32, #tpu.memory_space<vmem>>)
      %dma_start3A_212 = arith.constant 1 : i32
      %dma_start3A_213 = arith.constant 0 : i32
      %dma_start3A_214 = tpu.memref_slice %arg12[%dma_start3A_212, %dma_start3A_213] : memref<4x50xi32, #tpu.memory_space<vmem>> -> memref<1x50xi32, #tpu.memory_space<vmem>>
      %dma_start3A_215 = tpu.memref_squeeze %dma_start3A_214 : memref<1x50xi32, #tpu.memory_space<vmem>> -> memref<50xi32, #tpu.memory_space<vmem>>
      %dma_start3A_216 = arith.constant 0 : i32
      %dma_start3A_217 = arith.constant 0 : i32
      %dma_start3A_218 = tpu.memref_slice %arg19[%dma_start3A_216, %dma_start3A_217] : memref<10000x128xf32, #tpu.memory_space<vmem_shared>> -> memref<10000x128xf32, #tpu.memory_space<vmem_shared>>
      tpu.enqueue_indirect_dma source(%arg15 : memref<50x128xf32, #tpu.memory_space<vmem>>) target(%dma_start3A_218 : memref<10000x128xf32, #tpu.memory_space<vmem_shared>>) offsets(%dma_start3A_215 : memref<50xi32, #tpu.memory_space<vmem>>) semaphore(%arg25 : memref<!tpu.dma_semaphore, #tpu.memory_space<semaphore_mem>>) {add = true}
      %dma_wait3A_219 = arith.constant 2 : i32
      %dma_wait3A_220 = arith.constant 0 : i32
      %dma_wait3A_221 = tpu.memref_slice %arg10[%dma_wait3A_219, %dma_wait3A_220] : memref<4x50xi32, #tpu.memory_space<vmem>> -> memref<1x50xi32, #tpu.memory_space<vmem>>
      %dma_wait3A_222 = tpu.memref_squeeze %dma_wait3A_221 : memref<1x50xi32, #tpu.memory_space<vmem>> -> memref<50xi32, #tpu.memory_space<vmem>>
      %dma_wait3A_223 = arith.constant 0 : i32
      %dma_wait3A_224 = arith.constant 0 : i32
      %dma_wait3A_225 = tpu.memref_slice %arg2[%dma_wait3A_223, %dma_wait3A_224] : memref<10000x128xf32, #tpu.memory_space<hbm>> -> memref<10000x128xf32, #tpu.memory_space<hbm>>
      tpu.wait_indirect_dma semaphore(%arg22 : memref<!tpu.dma_semaphore, #tpu.memory_space<semaphore_mem>>) src(%dma_wait3A_225 : memref<10000x128xf32, #tpu.memory_space<hbm>>) dst(%arg16 : memref<50x128xf32, #tpu.memory_space<vmem>>)
      %dma_start3A_226 = arith.constant 2 : i32
      %dma_start3A_227 = arith.constant 0 : i32
      %dma_start3A_228 = tpu.memref_slice %arg12[%dma_start3A_226, %dma_start3A_227] : memref<4x50xi32, #tpu.memory_space<vmem>> -> memref<1x50xi32, #tpu.memory_space<vmem>>
      %dma_start3A_229 = tpu.memref_squeeze %dma_start3A_228 : memref<1x50xi32, #tpu.memory_space<vmem>> -> memref<50xi32, #tpu.memory_space<vmem>>
      %dma_start3A_230 = arith.constant 0 : i32
      %dma_start3A_231 = arith.constant 0 : i32
      %dma_start3A_232 = tpu.memref_slice %arg19[%dma_start3A_230, %dma_start3A_231] : memref<10000x128xf32, #tpu.memory_space<vmem_shared>> -> memref<10000x128xf32, #tpu.memory_space<vmem_shared>>
      tpu.enqueue_indirect_dma source(%arg16 : memref<50x128xf32, #tpu.memory_space<vmem>>) target(%dma_start3A_232 : memref<10000x128xf32, #tpu.memory_space<vmem_shared>>) offsets(%dma_start3A_229 : memref<50xi32, #tpu.memory_space<vmem>>) semaphore(%arg26 : memref<!tpu.dma_semaphore, #tpu.memory_space<semaphore_mem>>) {add = true}
      %dma_wait3A_233 = arith.constant 3 : i32
      %dma_wait3A_234 = arith.constant 0 : i32
      %dma_wait3A_235 = tpu.memref_slice %arg10[%dma_wait3A_233, %dma_wait3A_234] : memref<4x50xi32, #tpu.memory_space<vmem>> -> memref<1x50xi32, #tpu.memory_space<vmem>>
      %dma_wait3A_236 = tpu.memref_squeeze %dma_wait3A_235 : memref<1x50xi32, #tpu.memory_space<vmem>> -> memref<50xi32, #tpu.memory_space<vmem>>
      %dma_wait3A_237 = arith.constant 0 : i32
      %dma_wait3A_238 = arith.constant 0 : i32
      %dma_wait3A_239 = tpu.memref_slice %arg2[%dma_wait3A_237, %dma_wait3A_238] : memref<10000x128xf32, #tpu.memory_space<hbm>> -> memref<10000x128xf32, #tpu.memory_space<hbm>>
      tpu.wait_indirect_dma semaphore(%arg23 : memref<!tpu.dma_semaphore, #tpu.memory_space<semaphore_mem>>) src(%dma_wait3A_239 : memref<10000x128xf32, #tpu.memory_space<hbm>>) dst(%arg17 : memref<50x128xf32, #tpu.memory_space<vmem>>)
      %dma_start3A_240 = arith.constant 3 : i32
      %dma_start3A_241 = arith.constant 0 : i32
      %dma_start3A_242 = tpu.memref_slice %arg12[%dma_start3A_240, %dma_start3A_241] : memref<4x50xi32, #tpu.memory_space<vmem>> -> memref<1x50xi32, #tpu.memory_space<vmem>>
      %dma_start3A_243 = tpu.memref_squeeze %dma_start3A_242 : memref<1x50xi32, #tpu.memory_space<vmem>> -> memref<50xi32, #tpu.memory_space<vmem>>
      %dma_start3A_244 = arith.constant 0 : i32
      %dma_start3A_245 = arith.constant 0 : i32
      %dma_start3A_246 = tpu.memref_slice %arg19[%dma_start3A_244, %dma_start3A_245] : memref<10000x128xf32, #tpu.memory_space<vmem_shared>> -> memref<10000x128xf32, #tpu.memory_space<vmem_shared>>
      tpu.enqueue_indirect_dma source(%arg17 : memref<50x128xf32, #tpu.memory_space<vmem>>) target(%dma_start3A_246 : memref<10000x128xf32, #tpu.memory_space<vmem_shared>>) offsets(%dma_start3A_243 : memref<50xi32, #tpu.memory_space<vmem>>) semaphore(%arg27 : memref<!tpu.dma_semaphore, #tpu.memory_space<semaphore_mem>>) {add = true}
      %add3A_247 = arith.constant 1 : i32
      %add3A_248 = arith.addi %add3A_121, %add3A_247 : i32
      %dma_wait3A_249 = arith.constant 0 : i32
      %dma_wait3A_250 = arith.constant 0 : i32
      %dma_wait3A_251 = tpu.memref_slice %arg3[%add3A, %add3A_248, %dma_wait3A_249, %dma_wait3A_250] : memref<32x50x4x50xi32, #tpu.memory_space<hbm>> -> memref<1x1x4x50xi32, #tpu.memory_space<hbm>>
      %dma_wait3A_252 = tpu.memref_squeeze %dma_wait3A_251 : memref<1x1x4x50xi32, #tpu.memory_space<hbm>> -> memref<4x50xi32, #tpu.memory_space<hbm>>
      %dma_wait3A_253 = arith.constant 0 : i32
      %dma_wait3A_254 = arith.constant 0 : i32
      %dma_wait3A_255 = tpu.memref_slice %arg3[%add3A, %add3A_248, %dma_wait3A_253, %dma_wait3A_254] : memref<32x50x4x50xi32, #tpu.memory_space<hbm>> -> memref<1x1x4x50xi32, #tpu.memory_space<hbm>>
      %dma_wait3A_256 = tpu.memref_squeeze %dma_wait3A_255 : memref<1x1x4x50xi32, #tpu.memory_space<hbm>> -> memref<4x50xi32, #tpu.memory_space<hbm>>
      tpu.wait_dma2 semaphore(%arg29 : memref<!tpu.dma_semaphore, #tpu.memory_space<semaphore_mem>>) src(%dma_wait3A_256 : memref<4x50xi32, #tpu.memory_space<hbm>>) dst(%arg11 : memref<4x50xi32, #tpu.memory_space<vmem>>)
      %dma_wait3A_257 = arith.constant 0 : i32
      %dma_wait3A_258 = arith.constant 0 : i32
      %dma_wait3A_259 = tpu.memref_slice %arg4[%add3A, %add3A_248, %dma_wait3A_257, %dma_wait3A_258] : memref<32x50x4x50xi32, #tpu.memory_space<hbm>> -> memref<1x1x4x50xi32, #tpu.memory_space<hbm>>
      %dma_wait3A_260 = tpu.memref_squeeze %dma_wait3A_259 : memref<1x1x4x50xi32, #tpu.memory_space<hbm>> -> memref<4x50xi32, #tpu.memory_space<hbm>>
      %dma_wait3A_261 = arith.constant 0 : i32
      %dma_wait3A_262 = arith.constant 0 : i32
      %dma_wait3A_263 = tpu.memref_slice %arg4[%add3A, %add3A_248, %dma_wait3A_261, %dma_wait3A_262] : memref<32x50x4x50xi32, #tpu.memory_space<hbm>> -> memref<1x1x4x50xi32, #tpu.memory_space<hbm>>
      %dma_wait3A_264 = tpu.memref_squeeze %dma_wait3A_263 : memref<1x1x4x50xi32, #tpu.memory_space<hbm>> -> memref<4x50xi32, #tpu.memory_space<hbm>>
      tpu.wait_dma2 semaphore(%arg31 : memref<!tpu.dma_semaphore, #tpu.memory_space<semaphore_mem>>) src(%dma_wait3A_264 : memref<4x50xi32, #tpu.memory_space<hbm>>) dst(%arg13 : memref<4x50xi32, #tpu.memory_space<vmem>>)
      %ge3A_265 = arith.constant 1 : i32
      %ge3A_266 = arith.cmpi sge, %add3A_248, %ge3A_265 : i32
      %convert_element_type3A_267 = arith.extui %ge3A_266 : i1 to i32
      %cond3A_268 = arith.constant 0 : i32
      %cond3A_269 = arith.cmpi ne, %convert_element_type3A_267, %cond3A_268 : i32
      scf.if %cond3A_269 {
        %dma_wait3A_376 = arith.constant 0 : i32
        %dma_wait3A_377 = arith.constant 0 : i32
        %dma_wait3A_378 = tpu.memref_slice %arg13[%dma_wait3A_376, %dma_wait3A_377] : memref<4x50xi32, #tpu.memory_space<vmem>> -> memref<1x50xi32, #tpu.memory_space<vmem>>
        %dma_wait3A_379 = tpu.memref_squeeze %dma_wait3A_378 : memref<1x50xi32, #tpu.memory_space<vmem>> -> memref<50xi32, #tpu.memory_space<vmem>>
        %dma_wait3A_380 = arith.constant 0 : i32
        %dma_wait3A_381 = arith.constant 0 : i32
        %dma_wait3A_382 = tpu.memref_slice %arg19[%dma_wait3A_380, %dma_wait3A_381] : memref<10000x128xf32, #tpu.memory_space<vmem_shared>> -> memref<10000x128xf32, #tpu.memory_space<vmem_shared>>
        tpu.wait_indirect_dma semaphore(%arg24 : memref<!tpu.dma_semaphore, #tpu.memory_space<semaphore_mem>>) src(%arg14 : memref<50x128xf32, #tpu.memory_space<vmem>>) dst(%dma_wait3A_382 : memref<10000x128xf32, #tpu.memory_space<vmem_shared>>)
      } else {
      }
      %dma_start3A_270 = arith.constant 0 : i32
      %dma_start3A_271 = arith.constant 0 : i32
      %dma_start3A_272 = tpu.memref_slice %arg11[%dma_start3A_270, %dma_start3A_271] : memref<4x50xi32, #tpu.memory_space<vmem>> -> memref<1x50xi32, #tpu.memory_space<vmem>>
      %dma_start3A_273 = tpu.memref_squeeze %dma_start3A_272 : memref<1x50xi32, #tpu.memory_space<vmem>> -> memref<50xi32, #tpu.memory_space<vmem>>
      %dma_start3A_274 = arith.constant 0 : i32
      %dma_start3A_275 = arith.constant 0 : i32
      %dma_start3A_276 = tpu.memref_slice %arg2[%dma_start3A_274, %dma_start3A_275] : memref<10000x128xf32, #tpu.memory_space<hbm>> -> memref<10000x128xf32, #tpu.memory_space<hbm>>
      tpu.enqueue_indirect_dma source(%dma_start3A_276 : memref<10000x128xf32, #tpu.memory_space<hbm>>) target(%arg14 : memref<50x128xf32, #tpu.memory_space<vmem>>) offsets(%dma_start3A_273 : memref<50xi32, #tpu.memory_space<vmem>>) semaphore(%arg20 : memref<!tpu.dma_semaphore, #tpu.memory_space<semaphore_mem>>)
      %ge3A_277 = arith.constant 1 : i32
      %ge3A_278 = arith.cmpi sge, %add3A_248, %ge3A_277 : i32
      %convert_element_type3A_279 = arith.extui %ge3A_278 : i1 to i32
      %cond3A_280 = arith.constant 0 : i32
      %cond3A_281 = arith.cmpi ne, %convert_element_type3A_279, %cond3A_280 : i32
      scf.if %cond3A_281 {
        %dma_wait3A_376 = arith.constant 1 : i32
        %dma_wait3A_377 = arith.constant 0 : i32
        %dma_wait3A_378 = tpu.memref_slice %arg13[%dma_wait3A_376, %dma_wait3A_377] : memref<4x50xi32, #tpu.memory_space<vmem>> -> memref<1x50xi32, #tpu.memory_space<vmem>>
        %dma_wait3A_379 = tpu.memref_squeeze %dma_wait3A_378 : memref<1x50xi32, #tpu.memory_space<vmem>> -> memref<50xi32, #tpu.memory_space<vmem>>
        %dma_wait3A_380 = arith.constant 0 : i32
        %dma_wait3A_381 = arith.constant 0 : i32
        %dma_wait3A_382 = tpu.memref_slice %arg19[%dma_wait3A_380, %dma_wait3A_381] : memref<10000x128xf32, #tpu.memory_space<vmem_shared>> -> memref<10000x128xf32, #tpu.memory_space<vmem_shared>>
        tpu.wait_indirect_dma semaphore(%arg25 : memref<!tpu.dma_semaphore, #tpu.memory_space<semaphore_mem>>) src(%arg15 : memref<50x128xf32, #tpu.memory_space<vmem>>) dst(%dma_wait3A_382 : memref<10000x128xf32, #tpu.memory_space<vmem_shared>>)
      } else {
      }
      %dma_start3A_282 = arith.constant 1 : i32
      %dma_start3A_283 = arith.constant 0 : i32
      %dma_start3A_284 = tpu.memref_slice %arg11[%dma_start3A_282, %dma_start3A_283] : memref<4x50xi32, #tpu.memory_space<vmem>> -> memref<1x50xi32, #tpu.memory_space<vmem>>
      %dma_start3A_285 = tpu.memref_squeeze %dma_start3A_284 : memref<1x50xi32, #tpu.memory_space<vmem>> -> memref<50xi32, #tpu.memory_space<vmem>>
      %dma_start3A_286 = arith.constant 0 : i32
      %dma_start3A_287 = arith.constant 0 : i32
      %dma_start3A_288 = tpu.memref_slice %arg2[%dma_start3A_286, %dma_start3A_287] : memref<10000x128xf32, #tpu.memory_space<hbm>> -> memref<10000x128xf32, #tpu.memory_space<hbm>>
      tpu.enqueue_indirect_dma source(%dma_start3A_288 : memref<10000x128xf32, #tpu.memory_space<hbm>>) target(%arg15 : memref<50x128xf32, #tpu.memory_space<vmem>>) offsets(%dma_start3A_285 : memref<50xi32, #tpu.memory_space<vmem>>) semaphore(%arg21 : memref<!tpu.dma_semaphore, #tpu.memory_space<semaphore_mem>>)
      %ge3A_289 = arith.constant 1 : i32
      %ge3A_290 = arith.cmpi sge, %add3A_248, %ge3A_289 : i32
      %convert_element_type3A_291 = arith.extui %ge3A_290 : i1 to i32
      %cond3A_292 = arith.constant 0 : i32
      %cond3A_293 = arith.cmpi ne, %convert_element_type3A_291, %cond3A_292 : i32
      scf.if %cond3A_293 {
        %dma_wait3A_376 = arith.constant 2 : i32
        %dma_wait3A_377 = arith.constant 0 : i32
        %dma_wait3A_378 = tpu.memref_slice %arg13[%dma_wait3A_376, %dma_wait3A_377] : memref<4x50xi32, #tpu.memory_space<vmem>> -> memref<1x50xi32, #tpu.memory_space<vmem>>
        %dma_wait3A_379 = tpu.memref_squeeze %dma_wait3A_378 : memref<1x50xi32, #tpu.memory_space<vmem>> -> memref<50xi32, #tpu.memory_space<vmem>>
        %dma_wait3A_380 = arith.constant 0 : i32
        %dma_wait3A_381 = arith.constant 0 : i32
        %dma_wait3A_382 = tpu.memref_slice %arg19[%dma_wait3A_380, %dma_wait3A_381] : memref<10000x128xf32, #tpu.memory_space<vmem_shared>> -> memref<10000x128xf32, #tpu.memory_space<vmem_shared>>
        tpu.wait_indirect_dma semaphore(%arg26 : memref<!tpu.dma_semaphore, #tpu.memory_space<semaphore_mem>>) src(%arg16 : memref<50x128xf32, #tpu.memory_space<vmem>>) dst(%dma_wait3A_382 : memref<10000x128xf32, #tpu.memory_space<vmem_shared>>)
      } else {
      }
      %dma_start3A_294 = arith.constant 2 : i32
      %dma_start3A_295 = arith.constant 0 : i32
      %dma_start3A_296 = tpu.memref_slice %arg11[%dma_start3A_294, %dma_start3A_295] : memref<4x50xi32, #tpu.memory_space<vmem>> -> memref<1x50xi32, #tpu.memory_space<vmem>>
      %dma_start3A_297 = tpu.memref_squeeze %dma_start3A_296 : memref<1x50xi32, #tpu.memory_space<vmem>> -> memref<50xi32, #tpu.memory_space<vmem>>
      %dma_start3A_298 = arith.constant 0 : i32
      %dma_start3A_299 = arith.constant 0 : i32
      %dma_start3A_300 = tpu.memref_slice %arg2[%dma_start3A_298, %dma_start3A_299] : memref<10000x128xf32, #tpu.memory_space<hbm>> -> memref<10000x128xf32, #tpu.memory_space<hbm>>
      tpu.enqueue_indirect_dma source(%dma_start3A_300 : memref<10000x128xf32, #tpu.memory_space<hbm>>) target(%arg16 : memref<50x128xf32, #tpu.memory_space<vmem>>) offsets(%dma_start3A_297 : memref<50xi32, #tpu.memory_space<vmem>>) semaphore(%arg22 : memref<!tpu.dma_semaphore, #tpu.memory_space<semaphore_mem>>)
      %ge3A_301 = arith.constant 1 : i32
      %ge3A_302 = arith.cmpi sge, %add3A_248, %ge3A_301 : i32
      %convert_element_type3A_303 = arith.extui %ge3A_302 : i1 to i32
      %cond3A_304 = arith.constant 0 : i32
      %cond3A_305 = arith.cmpi ne, %convert_element_type3A_303, %cond3A_304 : i32
      scf.if %cond3A_305 {
        %dma_wait3A_376 = arith.constant 3 : i32
        %dma_wait3A_377 = arith.constant 0 : i32
        %dma_wait3A_378 = tpu.memref_slice %arg13[%dma_wait3A_376, %dma_wait3A_377] : memref<4x50xi32, #tpu.memory_space<vmem>> -> memref<1x50xi32, #tpu.memory_space<vmem>>
        %dma_wait3A_379 = tpu.memref_squeeze %dma_wait3A_378 : memref<1x50xi32, #tpu.memory_space<vmem>> -> memref<50xi32, #tpu.memory_space<vmem>>
        %dma_wait3A_380 = arith.constant 0 : i32
        %dma_wait3A_381 = arith.constant 0 : i32
        %dma_wait3A_382 = tpu.memref_slice %arg19[%dma_wait3A_380, %dma_wait3A_381] : memref<10000x128xf32, #tpu.memory_space<vmem_shared>> -> memref<10000x128xf32, #tpu.memory_space<vmem_shared>>
        tpu.wait_indirect_dma semaphore(%arg27 : memref<!tpu.dma_semaphore, #tpu.memory_space<semaphore_mem>>) src(%arg17 : memref<50x128xf32, #tpu.memory_space<vmem>>) dst(%dma_wait3A_382 : memref<10000x128xf32, #tpu.memory_space<vmem_shared>>)
      } else {
      }
      %dma_start3A_306 = arith.constant 3 : i32
      %dma_start3A_307 = arith.constant 0 : i32
      %dma_start3A_308 = tpu.memref_slice %arg11[%dma_start3A_306, %dma_start3A_307] : memref<4x50xi32, #tpu.memory_space<vmem>> -> memref<1x50xi32, #tpu.memory_space<vmem>>
      %dma_start3A_309 = tpu.memref_squeeze %dma_start3A_308 : memref<1x50xi32, #tpu.memory_space<vmem>> -> memref<50xi32, #tpu.memory_space<vmem>>
      %dma_start3A_310 = arith.constant 0 : i32
      %dma_start3A_311 = arith.constant 0 : i32
      %dma_start3A_312 = tpu.memref_slice %arg2[%dma_start3A_310, %dma_start3A_311] : memref<10000x128xf32, #tpu.memory_space<hbm>> -> memref<10000x128xf32, #tpu.memory_space<hbm>>
      tpu.enqueue_indirect_dma source(%dma_start3A_312 : memref<10000x128xf32, #tpu.memory_space<hbm>>) target(%arg17 : memref<50x128xf32, #tpu.memory_space<vmem>>) offsets(%dma_start3A_309 : memref<50xi32, #tpu.memory_space<vmem>>) semaphore(%arg23 : memref<!tpu.dma_semaphore, #tpu.memory_space<semaphore_mem>>)
      %add3A_313 = arith.constant 1 : i32
      %add3A_314 = arith.addi %add3A_248, %add3A_313 : i32
      %lt3A_315 = arith.constant 50 : i32
      %lt3A_316 = arith.cmpi slt, %add3A_314, %lt3A_315 : i32
      %convert_element_type3A_317 = arith.extui %lt3A_316 : i1 to i32
      %cond3A_318 = arith.constant 0 : i32
      %cond3A_319 = arith.cmpi ne, %convert_element_type3A_317, %cond3A_318 : i32
      scf.if %cond3A_319 {
        %add3A_376 = arith.constant 1 : i32
        %add3A_377 = arith.addi %add3A_248, %add3A_376 : i32
        %dma_start3A_378 = arith.constant 0 : i32
        %dma_start3A_379 = arith.constant 0 : i32
        %dma_start3A_380 = tpu.memref_slice %arg3[%add3A, %add3A_377, %dma_start3A_378, %dma_start3A_379] : memref<32x50x4x50xi32, #tpu.memory_space<hbm>> -> memref<1x1x4x50xi32, #tpu.memory_space<hbm>>
        %dma_start3A_381 = tpu.memref_squeeze %dma_start3A_380 : memref<1x1x4x50xi32, #tpu.memory_space<hbm>> -> memref<4x50xi32, #tpu.memory_space<hbm>>
        %dma_start3A_382 = arith.constant 0 : i32
        %dma_start3A_383 = arith.constant 0 : i32
        %dma_start3A_384 = tpu.memref_slice %arg3[%add3A, %add3A_377, %dma_start3A_382, %dma_start3A_383] : memref<32x50x4x50xi32, #tpu.memory_space<hbm>> -> memref<1x1x4x50xi32, #tpu.memory_space<hbm>>
        %dma_start3A_385 = tpu.memref_squeeze %dma_start3A_384 : memref<1x1x4x50xi32, #tpu.memory_space<hbm>> -> memref<4x50xi32, #tpu.memory_space<hbm>>
        tpu.enqueue_dma source(%dma_start3A_385 : memref<4x50xi32, #tpu.memory_space<hbm>>) target(%arg10 : memref<4x50xi32, #tpu.memory_space<vmem>>) target_semaphore(%arg28 : memref<!tpu.dma_semaphore, #tpu.memory_space<semaphore_mem>>)
        %add3A_386 = arith.constant 1 : i32
        %add3A_387 = arith.addi %add3A_248, %add3A_386 : i32
        %dma_start3A_388 = arith.constant 0 : i32
        %dma_start3A_389 = arith.constant 0 : i32
        %dma_start3A_390 = tpu.memref_slice %arg4[%add3A, %add3A_387, %dma_start3A_388, %dma_start3A_389] : memref<32x50x4x50xi32, #tpu.memory_space<hbm>> -> memref<1x1x4x50xi32, #tpu.memory_space<hbm>>
        %dma_start3A_391 = tpu.memref_squeeze %dma_start3A_390 : memref<1x1x4x50xi32, #tpu.memory_space<hbm>> -> memref<4x50xi32, #tpu.memory_space<hbm>>
        %dma_start3A_392 = arith.constant 0 : i32
        %dma_start3A_393 = arith.constant 0 : i32
        %dma_start3A_394 = tpu.memref_slice %arg4[%add3A, %add3A_387, %dma_start3A_392, %dma_start3A_393] : memref<32x50x4x50xi32, #tpu.memory_space<hbm>> -> memref<1x1x4x50xi32, #tpu.memory_space<hbm>>
        %dma_start3A_395 = tpu.memref_squeeze %dma_start3A_394 : memref<1x1x4x50xi32, #tpu.memory_space<hbm>> -> memref<4x50xi32, #tpu.memory_space<hbm>>
        tpu.enqueue_dma source(%dma_start3A_395 : memref<4x50xi32, #tpu.memory_space<hbm>>) target(%arg12 : memref<4x50xi32, #tpu.memory_space<vmem>>) target_semaphore(%arg30 : memref<!tpu.dma_semaphore, #tpu.memory_space<semaphore_mem>>)
      } else {
      }
      %dma_wait3A_320 = arith.constant 0 : i32
      %dma_wait3A_321 = arith.constant 0 : i32
      %dma_wait3A_322 = tpu.memref_slice %arg11[%dma_wait3A_320, %dma_wait3A_321] : memref<4x50xi32, #tpu.memory_space<vmem>> -> memref<1x50xi32, #tpu.memory_space<vmem>>
      %dma_wait3A_323 = tpu.memref_squeeze %dma_wait3A_322 : memref<1x50xi32, #tpu.memory_space<vmem>> -> memref<50xi32, #tpu.memory_space<vmem>>
      %dma_wait3A_324 = arith.constant 0 : i32
      %dma_wait3A_325 = arith.constant 0 : i32
      %dma_wait3A_326 = tpu.memref_slice %arg2[%dma_wait3A_324, %dma_wait3A_325] : memref<10000x128xf32, #tpu.memory_space<hbm>> -> memref<10000x128xf32, #tpu.memory_space<hbm>>
      tpu.wait_indirect_dma semaphore(%arg20 : memref<!tpu.dma_semaphore, #tpu.memory_space<semaphore_mem>>) src(%dma_wait3A_326 : memref<10000x128xf32, #tpu.memory_space<hbm>>) dst(%arg14 : memref<50x128xf32, #tpu.memory_space<vmem>>)
      %dma_start3A_327 = arith.constant 0 : i32
      %dma_start3A_328 = arith.constant 0 : i32
      %dma_start3A_329 = tpu.memref_slice %arg13[%dma_start3A_327, %dma_start3A_328] : memref<4x50xi32, #tpu.memory_space<vmem>> -> memref<1x50xi32, #tpu.memory_space<vmem>>
      %dma_start3A_330 = tpu.memref_squeeze %dma_start3A_329 : memref<1x50xi32, #tpu.memory_space<vmem>> -> memref<50xi32, #tpu.memory_space<vmem>>
      %dma_start3A_331 = arith.constant 0 : i32
      %dma_start3A_332 = arith.constant 0 : i32
      %dma_start3A_333 = tpu.memref_slice %arg19[%dma_start3A_331, %dma_start3A_332] : memref<10000x128xf32, #tpu.memory_space<vmem_shared>> -> memref<10000x128xf32, #tpu.memory_space<vmem_shared>>
      tpu.enqueue_indirect_dma source(%arg14 : memref<50x128xf32, #tpu.memory_space<vmem>>) target(%dma_start3A_333 : memref<10000x128xf32, #tpu.memory_space<vmem_shared>>) offsets(%dma_start3A_330 : memref<50xi32, #tpu.memory_space<vmem>>) semaphore(%arg24 : memref<!tpu.dma_semaphore, #tpu.memory_space<semaphore_mem>>) {add = true}
      %dma_wait3A_334 = arith.constant 1 : i32
      %dma_wait3A_335 = arith.constant 0 : i32
      %dma_wait3A_336 = tpu.memref_slice %arg11[%dma_wait3A_334, %dma_wait3A_335] : memref<4x50xi32, #tpu.memory_space<vmem>> -> memref<1x50xi32, #tpu.memory_space<vmem>>
      %dma_wait3A_337 = tpu.memref_squeeze %dma_wait3A_336 : memref<1x50xi32, #tpu.memory_space<vmem>> -> memref<50xi32, #tpu.memory_space<vmem>>
      %dma_wait3A_338 = arith.constant 0 : i32
      %dma_wait3A_339 = arith.constant 0 : i32
      %dma_wait3A_340 = tpu.memref_slice %arg2[%dma_wait3A_338, %dma_wait3A_339] : memref<10000x128xf32, #tpu.memory_space<hbm>> -> memref<10000x128xf32, #tpu.memory_space<hbm>>
      tpu.wait_indirect_dma semaphore(%arg21 : memref<!tpu.dma_semaphore, #tpu.memory_space<semaphore_mem>>) src(%dma_wait3A_340 : memref<10000x128xf32, #tpu.memory_space<hbm>>) dst(%arg15 : memref<50x128xf32, #tpu.memory_space<vmem>>)
      %dma_start3A_341 = arith.constant 1 : i32
      %dma_start3A_342 = arith.constant 0 : i32
      %dma_start3A_343 = tpu.memref_slice %arg13[%dma_start3A_341, %dma_start3A_342] : memref<4x50xi32, #tpu.memory_space<vmem>> -> memref<1x50xi32, #tpu.memory_space<vmem>>
      %dma_start3A_344 = tpu.memref_squeeze %dma_start3A_343 : memref<1x50xi32, #tpu.memory_space<vmem>> -> memref<50xi32, #tpu.memory_space<vmem>>
      %dma_start3A_345 = arith.constant 0 : i32
      %dma_start3A_346 = arith.constant 0 : i32
      %dma_start3A_347 = tpu.memref_slice %arg19[%dma_start3A_345, %dma_start3A_346] : memref<10000x128xf32, #tpu.memory_space<vmem_shared>> -> memref<10000x128xf32, #tpu.memory_space<vmem_shared>>
      tpu.enqueue_indirect_dma source(%arg15 : memref<50x128xf32, #tpu.memory_space<vmem>>) target(%dma_start3A_347 : memref<10000x128xf32, #tpu.memory_space<vmem_shared>>) offsets(%dma_start3A_344 : memref<50xi32, #tpu.memory_space<vmem>>) semaphore(%arg25 : memref<!tpu.dma_semaphore, #tpu.memory_space<semaphore_mem>>) {add = true}
      %dma_wait3A_348 = arith.constant 2 : i32
      %dma_wait3A_349 = arith.constant 0 : i32
      %dma_wait3A_350 = tpu.memref_slice %arg11[%dma_wait3A_348, %dma_wait3A_349] : memref<4x50xi32, #tpu.memory_space<vmem>> -> memref<1x50xi32, #tpu.memory_space<vmem>>
      %dma_wait3A_351 = tpu.memref_squeeze %dma_wait3A_350 : memref<1x50xi32, #tpu.memory_space<vmem>> -> memref<50xi32, #tpu.memory_space<vmem>>
      %dma_wait3A_352 = arith.constant 0 : i32
      %dma_wait3A_353 = arith.constant 0 : i32
      %dma_wait3A_354 = tpu.memref_slice %arg2[%dma_wait3A_352, %dma_wait3A_353] : memref<10000x128xf32, #tpu.memory_space<hbm>> -> memref<10000x128xf32, #tpu.memory_space<hbm>>
      tpu.wait_indirect_dma semaphore(%arg22 : memref<!tpu.dma_semaphore, #tpu.memory_space<semaphore_mem>>) src(%dma_wait3A_354 : memref<10000x128xf32, #tpu.memory_space<hbm>>) dst(%arg16 : memref<50x128xf32, #tpu.memory_space<vmem>>)
      %dma_start3A_355 = arith.constant 2 : i32
      %dma_start3A_356 = arith.constant 0 : i32
      %dma_start3A_357 = tpu.memref_slice %arg13[%dma_start3A_355, %dma_start3A_356] : memref<4x50xi32, #tpu.memory_space<vmem>> -> memref<1x50xi32, #tpu.memory_space<vmem>>
      %dma_start3A_358 = tpu.memref_squeeze %dma_start3A_357 : memref<1x50xi32, #tpu.memory_space<vmem>> -> memref<50xi32, #tpu.memory_space<vmem>>
      %dma_start3A_359 = arith.constant 0 : i32
      %dma_start3A_360 = arith.constant 0 : i32
      %dma_start3A_361 = tpu.memref_slice %arg19[%dma_start3A_359, %dma_start3A_360] : memref<10000x128xf32, #tpu.memory_space<vmem_shared>> -> memref<10000x128xf32, #tpu.memory_space<vmem_shared>>
      tpu.enqueue_indirect_dma source(%arg16 : memref<50x128xf32, #tpu.memory_space<vmem>>) target(%dma_start3A_361 : memref<10000x128xf32, #tpu.memory_space<vmem_shared>>) offsets(%dma_start3A_358 : memref<50xi32, #tpu.memory_space<vmem>>) semaphore(%arg26 : memref<!tpu.dma_semaphore, #tpu.memory_space<semaphore_mem>>) {add = true}
      %dma_wait3A_362 = arith.constant 3 : i32
      %dma_wait3A_363 = arith.constant 0 : i32
      %dma_wait3A_364 = tpu.memref_slice %arg11[%dma_wait3A_362, %dma_wait3A_363] : memref<4x50xi32, #tpu.memory_space<vmem>> -> memref<1x50xi32, #tpu.memory_space<vmem>>
      %dma_wait3A_365 = tpu.memref_squeeze %dma_wait3A_364 : memref<1x50xi32, #tpu.memory_space<vmem>> -> memref<50xi32, #tpu.memory_space<vmem>>
      %dma_wait3A_366 = arith.constant 0 : i32
      %dma_wait3A_367 = arith.constant 0 : i32
      %dma_wait3A_368 = tpu.memref_slice %arg2[%dma_wait3A_366, %dma_wait3A_367] : memref<10000x128xf32, #tpu.memory_space<hbm>> -> memref<10000x128xf32, #tpu.memory_space<hbm>>
      tpu.wait_indirect_dma semaphore(%arg23 : memref<!tpu.dma_semaphore, #tpu.memory_space<semaphore_mem>>) src(%dma_wait3A_368 : memref<10000x128xf32, #tpu.memory_space<hbm>>) dst(%arg17 : memref<50x128xf32, #tpu.memory_space<vmem>>)
      %dma_start3A_369 = arith.constant 3 : i32
      %dma_start3A_370 = arith.constant 0 : i32
      %dma_start3A_371 = tpu.memref_slice %arg13[%dma_start3A_369, %dma_start3A_370] : memref<4x50xi32, #tpu.memory_space<vmem>> -> memref<1x50xi32, #tpu.memory_space<vmem>>
      %dma_start3A_372 = tpu.memref_squeeze %dma_start3A_371 : memref<1x50xi32, #tpu.memory_space<vmem>> -> memref<50xi32, #tpu.memory_space<vmem>>
      %dma_start3A_373 = arith.constant 0 : i32
      %dma_start3A_374 = arith.constant 0 : i32
      %dma_start3A_375 = tpu.memref_slice %arg19[%dma_start3A_373, %dma_start3A_374] : memref<10000x128xf32, #tpu.memory_space<vmem_shared>> -> memref<10000x128xf32, #tpu.memory_space<vmem_shared>>
      tpu.enqueue_indirect_dma source(%arg17 : memref<50x128xf32, #tpu.memory_space<vmem>>) target(%dma_start3A_375 : memref<10000x128xf32, #tpu.memory_space<vmem_shared>>) offsets(%dma_start3A_372 : memref<50xi32, #tpu.memory_space<vmem>>) semaphore(%arg27 : memref<!tpu.dma_semaphore, #tpu.memory_space<semaphore_mem>>) {add = true}
    }
    %scan3A_28 = arith.constant 25 : i32
    %dma_wait3A = arith.constant 0 : i32
    %dma_wait3A_29 = arith.constant 0 : i32
    %dma_wait3A_30 = tpu.memref_slice %arg13[%dma_wait3A, %dma_wait3A_29] : memref<4x50xi32, #tpu.memory_space<vmem>> -> memref<1x50xi32, #tpu.memory_space<vmem>>
    %dma_wait3A_31 = tpu.memref_squeeze %dma_wait3A_30 : memref<1x50xi32, #tpu.memory_space<vmem>> -> memref<50xi32, #tpu.memory_space<vmem>>
    %dma_wait3A_32 = arith.constant 0 : i32
    %dma_wait3A_33 = arith.constant 0 : i32
    %dma_wait3A_34 = tpu.memref_slice %arg19[%dma_wait3A_32, %dma_wait3A_33] : memref<10000x128xf32, #tpu.memory_space<vmem_shared>> -> memref<10000x128xf32, #tpu.memory_space<vmem_shared>>
    tpu.wait_indirect_dma semaphore(%arg24 : memref<!tpu.dma_semaphore, #tpu.memory_space<semaphore_mem>>) src(%arg14 : memref<50x128xf32, #tpu.memory_space<vmem>>) dst(%dma_wait3A_34 : memref<10000x128xf32, #tpu.memory_space<vmem_shared>>)
    %dma_wait3A_35 = arith.constant 1 : i32
    %dma_wait3A_36 = arith.constant 0 : i32
    %dma_wait3A_37 = tpu.memref_slice %arg13[%dma_wait3A_35, %dma_wait3A_36] : memref<4x50xi32, #tpu.memory_space<vmem>> -> memref<1x50xi32, #tpu.memory_space<vmem>>
    %dma_wait3A_38 = tpu.memref_squeeze %dma_wait3A_37 : memref<1x50xi32, #tpu.memory_space<vmem>> -> memref<50xi32, #tpu.memory_space<vmem>>
    %dma_wait3A_39 = arith.constant 0 : i32
    %dma_wait3A_40 = arith.constant 0 : i32
    %dma_wait3A_41 = tpu.memref_slice %arg19[%dma_wait3A_39, %dma_wait3A_40] : memref<10000x128xf32, #tpu.memory_space<vmem_shared>> -> memref<10000x128xf32, #tpu.memory_space<vmem_shared>>
    tpu.wait_indirect_dma semaphore(%arg25 : memref<!tpu.dma_semaphore, #tpu.memory_space<semaphore_mem>>) src(%arg15 : memref<50x128xf32, #tpu.memory_space<vmem>>) dst(%dma_wait3A_41 : memref<10000x128xf32, #tpu.memory_space<vmem_shared>>)
    %dma_wait3A_42 = arith.constant 2 : i32
    %dma_wait3A_43 = arith.constant 0 : i32
    %dma_wait3A_44 = tpu.memref_slice %arg13[%dma_wait3A_42, %dma_wait3A_43] : memref<4x50xi32, #tpu.memory_space<vmem>> -> memref<1x50xi32, #tpu.memory_space<vmem>>
    %dma_wait3A_45 = tpu.memref_squeeze %dma_wait3A_44 : memref<1x50xi32, #tpu.memory_space<vmem>> -> memref<50xi32, #tpu.memory_space<vmem>>
    %dma_wait3A_46 = arith.constant 0 : i32
    %dma_wait3A_47 = arith.constant 0 : i32
    %dma_wait3A_48 = tpu.memref_slice %arg19[%dma_wait3A_46, %dma_wait3A_47] : memref<10000x128xf32, #tpu.memory_space<vmem_shared>> -> memref<10000x128xf32, #tpu.memory_space<vmem_shared>>
    tpu.wait_indirect_dma semaphore(%arg26 : memref<!tpu.dma_semaphore, #tpu.memory_space<semaphore_mem>>) src(%arg16 : memref<50x128xf32, #tpu.memory_space<vmem>>) dst(%dma_wait3A_48 : memref<10000x128xf32, #tpu.memory_space<vmem_shared>>)
    %dma_wait3A_49 = arith.constant 3 : i32
    %dma_wait3A_50 = arith.constant 0 : i32
    %dma_wait3A_51 = tpu.memref_slice %arg13[%dma_wait3A_49, %dma_wait3A_50] : memref<4x50xi32, #tpu.memory_space<vmem>> -> memref<1x50xi32, #tpu.memory_space<vmem>>
    %dma_wait3A_52 = tpu.memref_squeeze %dma_wait3A_51 : memref<1x50xi32, #tpu.memory_space<vmem>> -> memref<50xi32, #tpu.memory_space<vmem>>
    %dma_wait3A_53 = arith.constant 0 : i32
    %dma_wait3A_54 = arith.constant 0 : i32
    %dma_wait3A_55 = tpu.memref_slice %arg19[%dma_wait3A_53, %dma_wait3A_54] : memref<10000x128xf32, #tpu.memory_space<vmem_shared>> -> memref<10000x128xf32, #tpu.memory_space<vmem_shared>>
    tpu.wait_indirect_dma semaphore(%arg27 : memref<!tpu.dma_semaphore, #tpu.memory_space<semaphore_mem>>) src(%arg17 : memref<50x128xf32, #tpu.memory_space<vmem>>) dst(%dma_wait3A_55 : memref<10000x128xf32, #tpu.memory_space<vmem_shared>>)
    %barrier3A_56 = arith.constant 0 : index
    tpu.barrier barrier_id(%barrier3A_56)
    %scan3A_57 = arith.constant 0 : i32
    %scan3A_58 = arith.constant 16 : i32
    %scan3A_59 = arith.addi %scan3A_57, %scan3A_58 : i32
    %scan3A_60 = arith.constant 1 : i32
    scf.for %scan3A_117 = %scan3A_57 to %scan3A_59 step %scan3A_60  : i32 {
      %mul3A_118 = arith.constant 1 : i32
      %mul3A_119 = arith.muli %scan3A_117, %mul3A_118 : i32
      %add3A_120 = arith.constant 0 : i32
      %add3A_121 = arith.addi %add3A_120, %mul3A_119 : i32
      %mul3A_122 = arith.constant 40 : i32
      %mul3A_123 = arith.muli %add3A_121, %mul3A_122 : i32
      %add3A_124 = arith.addi %mul3A_2, %mul3A_123 : i32
      "tpu.region"() ({
        %run_scoped3A = tpu.sem_alloc : memref<!tpu.dma_semaphore, #tpu.memory_space<semaphore_mem>>
        %dma_start3A_125 = arith.constant 0 : i32
        %dma_start3A_126 = tpu.memref_slice %arg19[%add3A_124, %dma_start3A_125] : memref<10000x128xf32, #tpu.memory_space<vmem_shared>> -> memref<40x128xf32, #tpu.memory_space<vmem_shared>>
        %dma_start3A_127 = arith.constant 0 : i32
        %dma_start3A_128 = tpu.memref_slice %arg19[%add3A_124, %dma_start3A_127] : memref<10000x128xf32, #tpu.memory_space<vmem_shared>> -> memref<40x128xf32, #tpu.memory_space<vmem_shared>>
        tpu.enqueue_dma source(%dma_start3A_128 : memref<40x128xf32, #tpu.memory_space<vmem_shared>>) target(%arg18 : memref<40x128xf32, #tpu.memory_space<vmem>>) target_semaphore(%run_scoped3A : memref<!tpu.dma_semaphore, #tpu.memory_space<semaphore_mem>>)
        %dma_wait3A_129 = arith.constant 0 : i32
        %dma_wait3A_130 = tpu.memref_slice %arg19[%add3A_124, %dma_wait3A_129] : memref<10000x128xf32, #tpu.memory_space<vmem_shared>> -> memref<40x128xf32, #tpu.memory_space<vmem_shared>>
        %dma_wait3A_131 = arith.constant 0 : i32
        %dma_wait3A_132 = tpu.memref_slice %arg19[%add3A_124, %dma_wait3A_131] : memref<10000x128xf32, #tpu.memory_space<vmem_shared>> -> memref<40x128xf32, #tpu.memory_space<vmem_shared>>
        tpu.wait_dma2 semaphore(%run_scoped3A : memref<!tpu.dma_semaphore, #tpu.memory_space<semaphore_mem>>) src(%dma_wait3A_132 : memref<40x128xf32, #tpu.memory_space<vmem_shared>>) dst(%arg18 : memref<40x128xf32, #tpu.memory_space<vmem>>)
        tpu.yield
      }) : () -> ()
      "tpu.region"() ({
        %run_scoped3A = tpu.sem_alloc : memref<!tpu.dma_semaphore, #tpu.memory_space<semaphore_mem>>
        %dma_start3A_125 = arith.constant 0 : i32
        %dma_start3A_126 = tpu.memref_slice %arg7[%arg0, %add3A_124, %dma_start3A_125] : memref<2x10000x128xf32, #tpu.memory_space<hbm>> -> memref<1x40x128xf32, #tpu.memory_space<hbm>>
        %dma_start3A_127 = tpu.memref_squeeze %dma_start3A_126 : memref<1x40x128xf32, #tpu.memory_space<hbm>> -> memref<40x128xf32, #tpu.memory_space<hbm>>
        %dma_start3A_128 = arith.constant 0 : i32
        %dma_start3A_129 = tpu.memref_slice %arg7[%arg0, %add3A_124, %dma_start3A_128] : memref<2x10000x128xf32, #tpu.memory_space<hbm>> -> memref<1x40x128xf32, #tpu.memory_space<hbm>>
        %dma_start3A_130 = tpu.memref_squeeze %dma_start3A_129 : memref<1x40x128xf32, #tpu.memory_space<hbm>> -> memref<40x128xf32, #tpu.memory_space<hbm>>
        tpu.enqueue_dma source(%arg18 : memref<40x128xf32, #tpu.memory_space<vmem>>) target(%dma_start3A_130 : memref<40x128xf32, #tpu.memory_space<hbm>>) target_semaphore(%run_scoped3A : memref<!tpu.dma_semaphore, #tpu.memory_space<semaphore_mem>>)
        %dma_wait3A_131 = arith.constant 0 : i32
        %dma_wait3A_132 = tpu.memref_slice %arg7[%arg0, %add3A_124, %dma_wait3A_131] : memref<2x10000x128xf32, #tpu.memory_space<hbm>> -> memref<1x40x128xf32, #tpu.memory_space<hbm>>
        %dma_wait3A_133 = tpu.memref_squeeze %dma_wait3A_132 : memref<1x40x128xf32, #tpu.memory_space<hbm>> -> memref<40x128xf32, #tpu.memory_space<hbm>>
        %dma_wait3A_134 = arith.constant 0 : i32
        %dma_wait3A_135 = tpu.memref_slice %arg7[%arg0, %add3A_124, %dma_wait3A_134] : memref<2x10000x128xf32, #tpu.memory_space<hbm>> -> memref<1x40x128xf32, #tpu.memory_space<hbm>>
        %dma_wait3A_136 = tpu.memref_squeeze %dma_wait3A_135 : memref<1x40x128xf32, #tpu.memory_space<hbm>> -> memref<40x128xf32, #tpu.memory_space<hbm>>
        tpu.wait_dma2 semaphore(%run_scoped3A : memref<!tpu.dma_semaphore, #tpu.memory_space<semaphore_mem>>) src(%arg18 : memref<40x128xf32, #tpu.memory_space<vmem>>) dst(%dma_wait3A_136 : memref<40x128xf32, #tpu.memory_space<hbm>>)
        tpu.yield
      }) : () -> ()
    }
    %scan3A_61 = arith.constant 16 : i32
    %barrier3A_62 = arith.constant 0 : index
    tpu.barrier barrier_id(%barrier3A_62)
    "tpu.region"() ({
      %run_scoped3A = tpu.sem_alloc : memref<!tpu.dma_semaphore, #tpu.memory_space<semaphore_mem>>
      tpu.enqueue_dma source(%arg5 : memref<40x128xf32, #tpu.memory_space<hbm>>) target(%arg18 : memref<40x128xf32, #tpu.memory_space<vmem>>) target_semaphore(%run_scoped3A : memref<!tpu.dma_semaphore, #tpu.memory_space<semaphore_mem>>)
      tpu.wait_dma2 semaphore(%run_scoped3A : memref<!tpu.dma_semaphore, #tpu.memory_space<semaphore_mem>>) src(%arg5 : memref<40x128xf32, #tpu.memory_space<hbm>>) dst(%arg18 : memref<40x128xf32, #tpu.memory_space<vmem>>)
      tpu.yield
    }) : () -> ()
    %scan3A_63 = arith.constant 0 : i32
    %scan3A_64 = arith.constant 16 : i32
    %scan3A_65 = arith.addi %scan3A_63, %scan3A_64 : i32
    %scan3A_66 = arith.constant 1 : i32
    scf.for %scan3A_117 = %scan3A_63 to %scan3A_65 step %scan3A_66  : i32 {
      %mul3A_118 = arith.constant 1 : i32
      %mul3A_119 = arith.muli %scan3A_117, %mul3A_118 : i32
      %add3A_120 = arith.constant 0 : i32
      %add3A_121 = arith.addi %add3A_120, %mul3A_119 : i32
      %mul3A_122 = arith.constant 40 : i32
      %mul3A_123 = arith.muli %add3A_121, %mul3A_122 : i32
      %add3A_124 = arith.addi %mul3A_2, %mul3A_123 : i32
      "tpu.region"() ({
        %run_scoped3A = tpu.sem_alloc : memref<!tpu.dma_semaphore, #tpu.memory_space<semaphore_mem>>
        %dma_start3A_125 = arith.constant 0 : i32
        %dma_start3A_126 = tpu.memref_slice %arg19[%add3A_124, %dma_start3A_125] : memref<10000x128xf32, #tpu.memory_space<vmem_shared>> -> memref<40x128xf32, #tpu.memory_space<vmem_shared>>
        %dma_start3A_127 = arith.constant 0 : i32
        %dma_start3A_128 = tpu.memref_slice %arg19[%add3A_124, %dma_start3A_127] : memref<10000x128xf32, #tpu.memory_space<vmem_shared>> -> memref<40x128xf32, #tpu.memory_space<vmem_shared>>
        tpu.enqueue_dma source(%arg18 : memref<40x128xf32, #tpu.memory_space<vmem>>) target(%dma_start3A_128 : memref<40x128xf32, #tpu.memory_space<vmem_shared>>) target_semaphore(%run_scoped3A : memref<!tpu.dma_semaphore, #tpu.memory_space<semaphore_mem>>)
        %dma_wait3A_129 = arith.constant 0 : i32
        %dma_wait3A_130 = tpu.memref_slice %arg19[%add3A_124, %dma_wait3A_129] : memref<10000x128xf32, #tpu.memory_space<vmem_shared>> -> memref<40x128xf32, #tpu.memory_space<vmem_shared>>
        %dma_wait3A_131 = arith.constant 0 : i32
        %dma_wait3A_132 = tpu.memref_slice %arg19[%add3A_124, %dma_wait3A_131] : memref<10000x128xf32, #tpu.memory_space<vmem_shared>> -> memref<40x128xf32, #tpu.memory_space<vmem_shared>>
        tpu.wait_dma2 semaphore(%run_scoped3A : memref<!tpu.dma_semaphore, #tpu.memory_space<semaphore_mem>>) src(%arg18 : memref<40x128xf32, #tpu.memory_space<vmem>>) dst(%dma_wait3A_132 : memref<40x128xf32, #tpu.memory_space<vmem_shared>>)
        tpu.yield
      }) : () -> ()
    }
    %scan3A_67 = arith.constant 16 : i32
    %barrier3A_68 = arith.constant 0 : index
    tpu.barrier barrier_id(%barrier3A_68)
    %dma_start3A_69 = arith.constant 0 : i32
    %dma_start3A_70 = arith.constant 0 : i32
    %dma_start3A_71 = arith.constant 0 : i32
    %dma_start3A_72 = tpu.memref_slice %arg4[%add3A, %dma_start3A_69, %dma_start3A_70, %dma_start3A_71] : memref<32x50x4x50xi32, #tpu.memory_space<hbm>> -> memref<1x1x4x50xi32, #tpu.memory_space<hbm>>
    %dma_start3A_73 = tpu.memref_squeeze %dma_start3A_72 : memref<1x1x4x50xi32, #tpu.memory_space<hbm>> -> memref<4x50xi32, #tpu.memory_space<hbm>>
    %dma_start3A_74 = arith.constant 0 : i32
    %dma_start3A_75 = arith.constant 0 : i32
    %dma_start3A_76 = tpu.memref_slice %arg4[%add3A, %dma_start3A_69, %dma_start3A_74, %dma_start3A_75] : memref<32x50x4x50xi32, #tpu.memory_space<hbm>> -> memref<1x1x4x50xi32, #tpu.memory_space<hbm>>
    %dma_start3A_77 = tpu.memref_squeeze %dma_start3A_76 : memref<1x1x4x50xi32, #tpu.memory_space<hbm>> -> memref<4x50xi32, #tpu.memory_space<hbm>>
    tpu.enqueue_dma source(%dma_start3A_77 : memref<4x50xi32, #tpu.memory_space<hbm>>) target(%arg12 : memref<4x50xi32, #tpu.memory_space<vmem>>) target_semaphore(%arg30 : memref<!tpu.dma_semaphore, #tpu.memory_space<semaphore_mem>>)
    %scan3A_78 = arith.constant 0 : i32
    %scan3A_79 = arith.constant 25 : i32
    %scan3A_80 = arith.addi %scan3A_78, %scan3A_79 : i32
    %scan3A_81 = arith.constant 1 : i32
    scf.for %scan3A_117 = %scan3A_78 to %scan3A_80 step %scan3A_81  : i32 {
      %mul3A_118 = arith.constant 2 : i32
      %mul3A_119 = arith.muli %scan3A_117, %mul3A_118 : i32
      %add3A_120 = arith.constant 0 : i32
      %add3A_121 = arith.addi %add3A_120, %mul3A_119 : i32
      %add3A_122 = arith.constant 0 : i32
      %add3A_123 = arith.addi %add3A_121, %add3A_122 : i32
      %dma_wait3A_124 = arith.constant 0 : i32
      %dma_wait3A_125 = arith.constant 0 : i32
      %dma_wait3A_126 = tpu.memref_slice %arg4[%add3A, %add3A_123, %dma_wait3A_124, %dma_wait3A_125] : memref<32x50x4x50xi32, #tpu.memory_space<hbm>> -> memref<1x1x4x50xi32, #tpu.memory_space<hbm>>
      %dma_wait3A_127 = tpu.memref_squeeze %dma_wait3A_126 : memref<1x1x4x50xi32, #tpu.memory_space<hbm>> -> memref<4x50xi32, #tpu.memory_space<hbm>>
      %dma_wait3A_128 = arith.constant 0 : i32
      %dma_wait3A_129 = arith.constant 0 : i32
      %dma_wait3A_130 = tpu.memref_slice %arg4[%add3A, %add3A_123, %dma_wait3A_128, %dma_wait3A_129] : memref<32x50x4x50xi32, #tpu.memory_space<hbm>> -> memref<1x1x4x50xi32, #tpu.memory_space<hbm>>
      %dma_wait3A_131 = tpu.memref_squeeze %dma_wait3A_130 : memref<1x1x4x50xi32, #tpu.memory_space<hbm>> -> memref<4x50xi32, #tpu.memory_space<hbm>>
      tpu.wait_dma2 semaphore(%arg30 : memref<!tpu.dma_semaphore, #tpu.memory_space<semaphore_mem>>) src(%dma_wait3A_131 : memref<4x50xi32, #tpu.memory_space<hbm>>) dst(%arg12 : memref<4x50xi32, #tpu.memory_space<vmem>>)
      %ge3A = arith.constant 1 : i32
      %ge3A_132 = arith.cmpi sge, %add3A_123, %ge3A : i32
      %convert_element_type3A = arith.extui %ge3A_132 : i1 to i32
      %cond3A = arith.constant 0 : i32
      %cond3A_133 = arith.cmpi ne, %convert_element_type3A, %cond3A : i32
      scf.if %cond3A_133 {
        %dma_wait3A_218 = arith.constant 0 : i32
        %dma_wait3A_219 = arith.constant 0 : i32
        %dma_wait3A_220 = tpu.memref_slice %arg13[%dma_wait3A_218, %dma_wait3A_219] : memref<4x50xi32, #tpu.memory_space<vmem>> -> memref<1x50xi32, #tpu.memory_space<vmem>>
        %dma_wait3A_221 = tpu.memref_squeeze %dma_wait3A_220 : memref<1x50xi32, #tpu.memory_space<vmem>> -> memref<50xi32, #tpu.memory_space<vmem>>
        %dma_wait3A_222 = arith.constant 0 : i32
        %dma_wait3A_223 = arith.constant 0 : i32
        %dma_wait3A_224 = tpu.memref_slice %arg19[%dma_wait3A_222, %dma_wait3A_223] : memref<10000x128xf32, #tpu.memory_space<vmem_shared>> -> memref<10000x128xf32, #tpu.memory_space<vmem_shared>>
        tpu.wait_indirect_dma semaphore(%arg24 : memref<!tpu.dma_semaphore, #tpu.memory_space<semaphore_mem>>) src(%arg9 : memref<50x128xf32, #tpu.memory_space<vmem>>) dst(%dma_wait3A_224 : memref<10000x128xf32, #tpu.memory_space<vmem_shared>>)
        %dma_wait3A_225 = arith.constant 1 : i32
        %dma_wait3A_226 = arith.constant 0 : i32
        %dma_wait3A_227 = tpu.memref_slice %arg13[%dma_wait3A_225, %dma_wait3A_226] : memref<4x50xi32, #tpu.memory_space<vmem>> -> memref<1x50xi32, #tpu.memory_space<vmem>>
        %dma_wait3A_228 = tpu.memref_squeeze %dma_wait3A_227 : memref<1x50xi32, #tpu.memory_space<vmem>> -> memref<50xi32, #tpu.memory_space<vmem>>
        %dma_wait3A_229 = arith.constant 0 : i32
        %dma_wait3A_230 = arith.constant 0 : i32
        %dma_wait3A_231 = tpu.memref_slice %arg19[%dma_wait3A_229, %dma_wait3A_230] : memref<10000x128xf32, #tpu.memory_space<vmem_shared>> -> memref<10000x128xf32, #tpu.memory_space<vmem_shared>>
        tpu.wait_indirect_dma semaphore(%arg25 : memref<!tpu.dma_semaphore, #tpu.memory_space<semaphore_mem>>) src(%arg9 : memref<50x128xf32, #tpu.memory_space<vmem>>) dst(%dma_wait3A_231 : memref<10000x128xf32, #tpu.memory_space<vmem_shared>>)
        %dma_wait3A_232 = arith.constant 2 : i32
        %dma_wait3A_233 = arith.constant 0 : i32
        %dma_wait3A_234 = tpu.memref_slice %arg13[%dma_wait3A_232, %dma_wait3A_233] : memref<4x50xi32, #tpu.memory_space<vmem>> -> memref<1x50xi32, #tpu.memory_space<vmem>>
        %dma_wait3A_235 = tpu.memref_squeeze %dma_wait3A_234 : memref<1x50xi32, #tpu.memory_space<vmem>> -> memref<50xi32, #tpu.memory_space<vmem>>
        %dma_wait3A_236 = arith.constant 0 : i32
        %dma_wait3A_237 = arith.constant 0 : i32
        %dma_wait3A_238 = tpu.memref_slice %arg19[%dma_wait3A_236, %dma_wait3A_237] : memref<10000x128xf32, #tpu.memory_space<vmem_shared>> -> memref<10000x128xf32, #tpu.memory_space<vmem_shared>>
        tpu.wait_indirect_dma semaphore(%arg26 : memref<!tpu.dma_semaphore, #tpu.memory_space<semaphore_mem>>) src(%arg9 : memref<50x128xf32, #tpu.memory_space<vmem>>) dst(%dma_wait3A_238 : memref<10000x128xf32, #tpu.memory_space<vmem_shared>>)
        %dma_wait3A_239 = arith.constant 3 : i32
        %dma_wait3A_240 = arith.constant 0 : i32
        %dma_wait3A_241 = tpu.memref_slice %arg13[%dma_wait3A_239, %dma_wait3A_240] : memref<4x50xi32, #tpu.memory_space<vmem>> -> memref<1x50xi32, #tpu.memory_space<vmem>>
        %dma_wait3A_242 = tpu.memref_squeeze %dma_wait3A_241 : memref<1x50xi32, #tpu.memory_space<vmem>> -> memref<50xi32, #tpu.memory_space<vmem>>
        %dma_wait3A_243 = arith.constant 0 : i32
        %dma_wait3A_244 = arith.constant 0 : i32
        %dma_wait3A_245 = tpu.memref_slice %arg19[%dma_wait3A_243, %dma_wait3A_244] : memref<10000x128xf32, #tpu.memory_space<vmem_shared>> -> memref<10000x128xf32, #tpu.memory_space<vmem_shared>>
        tpu.wait_indirect_dma semaphore(%arg27 : memref<!tpu.dma_semaphore, #tpu.memory_space<semaphore_mem>>) src(%arg9 : memref<50x128xf32, #tpu.memory_space<vmem>>) dst(%dma_wait3A_245 : memref<10000x128xf32, #tpu.memory_space<vmem_shared>>)
      } else {
      }
      %add3A_134 = arith.constant 1 : i32
      %add3A_135 = arith.addi %add3A_123, %add3A_134 : i32
      %lt3A = arith.constant 50 : i32
      %lt3A_136 = arith.cmpi slt, %add3A_135, %lt3A : i32
      %convert_element_type3A_137 = arith.extui %lt3A_136 : i1 to i32
      %cond3A_138 = arith.constant 0 : i32
      %cond3A_139 = arith.cmpi ne, %convert_element_type3A_137, %cond3A_138 : i32
      scf.if %cond3A_139 {
        %add3A_218 = arith.constant 1 : i32
        %add3A_219 = arith.addi %add3A_123, %add3A_218 : i32
        %dma_start3A_220 = arith.constant 0 : i32
        %dma_start3A_221 = arith.constant 0 : i32
        %dma_start3A_222 = tpu.memref_slice %arg4[%add3A, %add3A_219, %dma_start3A_220, %dma_start3A_221] : memref<32x50x4x50xi32, #tpu.memory_space<hbm>> -> memref<1x1x4x50xi32, #tpu.memory_space<hbm>>
        %dma_start3A_223 = tpu.memref_squeeze %dma_start3A_222 : memref<1x1x4x50xi32, #tpu.memory_space<hbm>> -> memref<4x50xi32, #tpu.memory_space<hbm>>
        %dma_start3A_224 = arith.constant 0 : i32
        %dma_start3A_225 = arith.constant 0 : i32
        %dma_start3A_226 = tpu.memref_slice %arg4[%add3A, %add3A_219, %dma_start3A_224, %dma_start3A_225] : memref<32x50x4x50xi32, #tpu.memory_space<hbm>> -> memref<1x1x4x50xi32, #tpu.memory_space<hbm>>
        %dma_start3A_227 = tpu.memref_squeeze %dma_start3A_226 : memref<1x1x4x50xi32, #tpu.memory_space<hbm>> -> memref<4x50xi32, #tpu.memory_space<hbm>>
        tpu.enqueue_dma source(%dma_start3A_227 : memref<4x50xi32, #tpu.memory_space<hbm>>) target(%arg13 : memref<4x50xi32, #tpu.memory_space<vmem>>) target_semaphore(%arg31 : memref<!tpu.dma_semaphore, #tpu.memory_space<semaphore_mem>>)
      } else {
      }
      %dma_start3A_140 = arith.constant 0 : i32
      %dma_start3A_141 = arith.constant 0 : i32
      %dma_start3A_142 = tpu.memref_slice %arg12[%dma_start3A_140, %dma_start3A_141] : memref<4x50xi32, #tpu.memory_space<vmem>> -> memref<1x50xi32, #tpu.memory_space<vmem>>
      %dma_start3A_143 = tpu.memref_squeeze %dma_start3A_142 : memref<1x50xi32, #tpu.memory_space<vmem>> -> memref<50xi32, #tpu.memory_space<vmem>>
      %dma_start3A_144 = arith.constant 0 : i32
      %dma_start3A_145 = arith.constant 0 : i32
      %dma_start3A_146 = tpu.memref_slice %arg19[%dma_start3A_144, %dma_start3A_145] : memref<10000x128xf32, #tpu.memory_space<vmem_shared>> -> memref<10000x128xf32, #tpu.memory_space<vmem_shared>>
      tpu.enqueue_indirect_dma source(%arg9 : memref<50x128xf32, #tpu.memory_space<vmem>>) target(%dma_start3A_146 : memref<10000x128xf32, #tpu.memory_space<vmem_shared>>) offsets(%dma_start3A_143 : memref<50xi32, #tpu.memory_space<vmem>>) semaphore(%arg24 : memref<!tpu.dma_semaphore, #tpu.memory_space<semaphore_mem>>) {add = true}
      %dma_start3A_147 = arith.constant 1 : i32
      %dma_start3A_148 = arith.constant 0 : i32
      %dma_start3A_149 = tpu.memref_slice %arg12[%dma_start3A_147, %dma_start3A_148] : memref<4x50xi32, #tpu.memory_space<vmem>> -> memref<1x50xi32, #tpu.memory_space<vmem>>
      %dma_start3A_150 = tpu.memref_squeeze %dma_start3A_149 : memref<1x50xi32, #tpu.memory_space<vmem>> -> memref<50xi32, #tpu.memory_space<vmem>>
      %dma_start3A_151 = arith.constant 0 : i32
      %dma_start3A_152 = arith.constant 0 : i32
      %dma_start3A_153 = tpu.memref_slice %arg19[%dma_start3A_151, %dma_start3A_152] : memref<10000x128xf32, #tpu.memory_space<vmem_shared>> -> memref<10000x128xf32, #tpu.memory_space<vmem_shared>>
      tpu.enqueue_indirect_dma source(%arg9 : memref<50x128xf32, #tpu.memory_space<vmem>>) target(%dma_start3A_153 : memref<10000x128xf32, #tpu.memory_space<vmem_shared>>) offsets(%dma_start3A_150 : memref<50xi32, #tpu.memory_space<vmem>>) semaphore(%arg25 : memref<!tpu.dma_semaphore, #tpu.memory_space<semaphore_mem>>) {add = true}
      %dma_start3A_154 = arith.constant 2 : i32
      %dma_start3A_155 = arith.constant 0 : i32
      %dma_start3A_156 = tpu.memref_slice %arg12[%dma_start3A_154, %dma_start3A_155] : memref<4x50xi32, #tpu.memory_space<vmem>> -> memref<1x50xi32, #tpu.memory_space<vmem>>
      %dma_start3A_157 = tpu.memref_squeeze %dma_start3A_156 : memref<1x50xi32, #tpu.memory_space<vmem>> -> memref<50xi32, #tpu.memory_space<vmem>>
      %dma_start3A_158 = arith.constant 0 : i32
      %dma_start3A_159 = arith.constant 0 : i32
      %dma_start3A_160 = tpu.memref_slice %arg19[%dma_start3A_158, %dma_start3A_159] : memref<10000x128xf32, #tpu.memory_space<vmem_shared>> -> memref<10000x128xf32, #tpu.memory_space<vmem_shared>>
      tpu.enqueue_indirect_dma source(%arg9 : memref<50x128xf32, #tpu.memory_space<vmem>>) target(%dma_start3A_160 : memref<10000x128xf32, #tpu.memory_space<vmem_shared>>) offsets(%dma_start3A_157 : memref<50xi32, #tpu.memory_space<vmem>>) semaphore(%arg26 : memref<!tpu.dma_semaphore, #tpu.memory_space<semaphore_mem>>) {add = true}
      %dma_start3A_161 = arith.constant 3 : i32
      %dma_start3A_162 = arith.constant 0 : i32
      %dma_start3A_163 = tpu.memref_slice %arg12[%dma_start3A_161, %dma_start3A_162] : memref<4x50xi32, #tpu.memory_space<vmem>> -> memref<1x50xi32, #tpu.memory_space<vmem>>
      %dma_start3A_164 = tpu.memref_squeeze %dma_start3A_163 : memref<1x50xi32, #tpu.memory_space<vmem>> -> memref<50xi32, #tpu.memory_space<vmem>>
      %dma_start3A_165 = arith.constant 0 : i32
      %dma_start3A_166 = arith.constant 0 : i32
      %dma_start3A_167 = tpu.memref_slice %arg19[%dma_start3A_165, %dma_start3A_166] : memref<10000x128xf32, #tpu.memory_space<vmem_shared>> -> memref<10000x128xf32, #tpu.memory_space<vmem_shared>>
      tpu.enqueue_indirect_dma source(%arg9 : memref<50x128xf32, #tpu.memory_space<vmem>>) target(%dma_start3A_167 : memref<10000x128xf32, #tpu.memory_space<vmem_shared>>) offsets(%dma_start3A_164 : memref<50xi32, #tpu.memory_space<vmem>>) semaphore(%arg27 : memref<!tpu.dma_semaphore, #tpu.memory_space<semaphore_mem>>) {add = true}
      %add3A_168 = arith.constant 1 : i32
      %add3A_169 = arith.addi %add3A_121, %add3A_168 : i32
      %dma_wait3A_170 = arith.constant 0 : i32
      %dma_wait3A_171 = arith.constant 0 : i32
      %dma_wait3A_172 = tpu.memref_slice %arg4[%add3A, %add3A_169, %dma_wait3A_170, %dma_wait3A_171] : memref<32x50x4x50xi32, #tpu.memory_space<hbm>> -> memref<1x1x4x50xi32, #tpu.memory_space<hbm>>
      %dma_wait3A_173 = tpu.memref_squeeze %dma_wait3A_172 : memref<1x1x4x50xi32, #tpu.memory_space<hbm>> -> memref<4x50xi32, #tpu.memory_space<hbm>>
      %dma_wait3A_174 = arith.constant 0 : i32
      %dma_wait3A_175 = arith.constant 0 : i32
      %dma_wait3A_176 = tpu.memref_slice %arg4[%add3A, %add3A_169, %dma_wait3A_174, %dma_wait3A_175] : memref<32x50x4x50xi32, #tpu.memory_space<hbm>> -> memref<1x1x4x50xi32, #tpu.memory_space<hbm>>
      %dma_wait3A_177 = tpu.memref_squeeze %dma_wait3A_176 : memref<1x1x4x50xi32, #tpu.memory_space<hbm>> -> memref<4x50xi32, #tpu.memory_space<hbm>>
      tpu.wait_dma2 semaphore(%arg31 : memref<!tpu.dma_semaphore, #tpu.memory_space<semaphore_mem>>) src(%dma_wait3A_177 : memref<4x50xi32, #tpu.memory_space<hbm>>) dst(%arg13 : memref<4x50xi32, #tpu.memory_space<vmem>>)
      %ge3A_178 = arith.constant 1 : i32
      %ge3A_179 = arith.cmpi sge, %add3A_169, %ge3A_178 : i32
      %convert_element_type3A_180 = arith.extui %ge3A_179 : i1 to i32
      %cond3A_181 = arith.constant 0 : i32
      %cond3A_182 = arith.cmpi ne, %convert_element_type3A_180, %cond3A_181 : i32
      scf.if %cond3A_182 {
        %dma_wait3A_218 = arith.constant 0 : i32
        %dma_wait3A_219 = arith.constant 0 : i32
        %dma_wait3A_220 = tpu.memref_slice %arg12[%dma_wait3A_218, %dma_wait3A_219] : memref<4x50xi32, #tpu.memory_space<vmem>> -> memref<1x50xi32, #tpu.memory_space<vmem>>
        %dma_wait3A_221 = tpu.memref_squeeze %dma_wait3A_220 : memref<1x50xi32, #tpu.memory_space<vmem>> -> memref<50xi32, #tpu.memory_space<vmem>>
        %dma_wait3A_222 = arith.constant 0 : i32
        %dma_wait3A_223 = arith.constant 0 : i32
        %dma_wait3A_224 = tpu.memref_slice %arg19[%dma_wait3A_222, %dma_wait3A_223] : memref<10000x128xf32, #tpu.memory_space<vmem_shared>> -> memref<10000x128xf32, #tpu.memory_space<vmem_shared>>
        tpu.wait_indirect_dma semaphore(%arg24 : memref<!tpu.dma_semaphore, #tpu.memory_space<semaphore_mem>>) src(%arg9 : memref<50x128xf32, #tpu.memory_space<vmem>>) dst(%dma_wait3A_224 : memref<10000x128xf32, #tpu.memory_space<vmem_shared>>)
        %dma_wait3A_225 = arith.constant 1 : i32
        %dma_wait3A_226 = arith.constant 0 : i32
        %dma_wait3A_227 = tpu.memref_slice %arg12[%dma_wait3A_225, %dma_wait3A_226] : memref<4x50xi32, #tpu.memory_space<vmem>> -> memref<1x50xi32, #tpu.memory_space<vmem>>
        %dma_wait3A_228 = tpu.memref_squeeze %dma_wait3A_227 : memref<1x50xi32, #tpu.memory_space<vmem>> -> memref<50xi32, #tpu.memory_space<vmem>>
        %dma_wait3A_229 = arith.constant 0 : i32
        %dma_wait3A_230 = arith.constant 0 : i32
        %dma_wait3A_231 = tpu.memref_slice %arg19[%dma_wait3A_229, %dma_wait3A_230] : memref<10000x128xf32, #tpu.memory_space<vmem_shared>> -> memref<10000x128xf32, #tpu.memory_space<vmem_shared>>
        tpu.wait_indirect_dma semaphore(%arg25 : memref<!tpu.dma_semaphore, #tpu.memory_space<semaphore_mem>>) src(%arg9 : memref<50x128xf32, #tpu.memory_space<vmem>>) dst(%dma_wait3A_231 : memref<10000x128xf32, #tpu.memory_space<vmem_shared>>)
        %dma_wait3A_232 = arith.constant 2 : i32
        %dma_wait3A_233 = arith.constant 0 : i32
        %dma_wait3A_234 = tpu.memref_slice %arg12[%dma_wait3A_232, %dma_wait3A_233] : memref<4x50xi32, #tpu.memory_space<vmem>> -> memref<1x50xi32, #tpu.memory_space<vmem>>
        %dma_wait3A_235 = tpu.memref_squeeze %dma_wait3A_234 : memref<1x50xi32, #tpu.memory_space<vmem>> -> memref<50xi32, #tpu.memory_space<vmem>>
        %dma_wait3A_236 = arith.constant 0 : i32
        %dma_wait3A_237 = arith.constant 0 : i32
        %dma_wait3A_238 = tpu.memref_slice %arg19[%dma_wait3A_236, %dma_wait3A_237] : memref<10000x128xf32, #tpu.memory_space<vmem_shared>> -> memref<10000x128xf32, #tpu.memory_space<vmem_shared>>
        tpu.wait_indirect_dma semaphore(%arg26 : memref<!tpu.dma_semaphore, #tpu.memory_space<semaphore_mem>>) src(%arg9 : memref<50x128xf32, #tpu.memory_space<vmem>>) dst(%dma_wait3A_238 : memref<10000x128xf32, #tpu.memory_space<vmem_shared>>)
        %dma_wait3A_239 = arith.constant 3 : i32
        %dma_wait3A_240 = arith.constant 0 : i32
        %dma_wait3A_241 = tpu.memref_slice %arg12[%dma_wait3A_239, %dma_wait3A_240] : memref<4x50xi32, #tpu.memory_space<vmem>> -> memref<1x50xi32, #tpu.memory_space<vmem>>
        %dma_wait3A_242 = tpu.memref_squeeze %dma_wait3A_241 : memref<1x50xi32, #tpu.memory_space<vmem>> -> memref<50xi32, #tpu.memory_space<vmem>>
        %dma_wait3A_243 = arith.constant 0 : i32
        %dma_wait3A_244 = arith.constant 0 : i32
        %dma_wait3A_245 = tpu.memref_slice %arg19[%dma_wait3A_243, %dma_wait3A_244] : memref<10000x128xf32, #tpu.memory_space<vmem_shared>> -> memref<10000x128xf32, #tpu.memory_space<vmem_shared>>
        tpu.wait_indirect_dma semaphore(%arg27 : memref<!tpu.dma_semaphore, #tpu.memory_space<semaphore_mem>>) src(%arg9 : memref<50x128xf32, #tpu.memory_space<vmem>>) dst(%dma_wait3A_245 : memref<10000x128xf32, #tpu.memory_space<vmem_shared>>)
      } else {
      }
      %add3A_183 = arith.constant 1 : i32
      %add3A_184 = arith.addi %add3A_169, %add3A_183 : i32
      %lt3A_185 = arith.constant 50 : i32
      %lt3A_186 = arith.cmpi slt, %add3A_184, %lt3A_185 : i32
      %convert_element_type3A_187 = arith.extui %lt3A_186 : i1 to i32
      %cond3A_188 = arith.constant 0 : i32
      %cond3A_189 = arith.cmpi ne, %convert_element_type3A_187, %cond3A_188 : i32
      scf.if %cond3A_189 {
        %add3A_218 = arith.constant 1 : i32
        %add3A_219 = arith.addi %add3A_169, %add3A_218 : i32
        %dma_start3A_220 = arith.constant 0 : i32
        %dma_start3A_221 = arith.constant 0 : i32
        %dma_start3A_222 = tpu.memref_slice %arg4[%add3A, %add3A_219, %dma_start3A_220, %dma_start3A_221] : memref<32x50x4x50xi32, #tpu.memory_space<hbm>> -> memref<1x1x4x50xi32, #tpu.memory_space<hbm>>
        %dma_start3A_223 = tpu.memref_squeeze %dma_start3A_222 : memref<1x1x4x50xi32, #tpu.memory_space<hbm>> -> memref<4x50xi32, #tpu.memory_space<hbm>>
        %dma_start3A_224 = arith.constant 0 : i32
        %dma_start3A_225 = arith.constant 0 : i32
        %dma_start3A_226 = tpu.memref_slice %arg4[%add3A, %add3A_219, %dma_start3A_224, %dma_start3A_225] : memref<32x50x4x50xi32, #tpu.memory_space<hbm>> -> memref<1x1x4x50xi32, #tpu.memory_space<hbm>>
        %dma_start3A_227 = tpu.memref_squeeze %dma_start3A_226 : memref<1x1x4x50xi32, #tpu.memory_space<hbm>> -> memref<4x50xi32, #tpu.memory_space<hbm>>
        tpu.enqueue_dma source(%dma_start3A_227 : memref<4x50xi32, #tpu.memory_space<hbm>>) target(%arg12 : memref<4x50xi32, #tpu.memory_space<vmem>>) target_semaphore(%arg30 : memref<!tpu.dma_semaphore, #tpu.memory_space<semaphore_mem>>)
      } else {
      }
      %dma_start3A_190 = arith.constant 0 : i32
      %dma_start3A_191 = arith.constant 0 : i32
      %dma_start3A_192 = tpu.memref_slice %arg13[%dma_start3A_190, %dma_start3A_191] : memref<4x50xi32, #tpu.memory_space<vmem>> -> memref<1x50xi32, #tpu.memory_space<vmem>>
      %dma_start3A_193 = tpu.memref_squeeze %dma_start3A_192 : memref<1x50xi32, #tpu.memory_space<vmem>> -> memref<50xi32, #tpu.memory_space<vmem>>
      %dma_start3A_194 = arith.constant 0 : i32
      %dma_start3A_195 = arith.constant 0 : i32
      %dma_start3A_196 = tpu.memref_slice %arg19[%dma_start3A_194, %dma_start3A_195] : memref<10000x128xf32, #tpu.memory_space<vmem_shared>> -> memref<10000x128xf32, #tpu.memory_space<vmem_shared>>
      tpu.enqueue_indirect_dma source(%arg9 : memref<50x128xf32, #tpu.memory_space<vmem>>) target(%dma_start3A_196 : memref<10000x128xf32, #tpu.memory_space<vmem_shared>>) offsets(%dma_start3A_193 : memref<50xi32, #tpu.memory_space<vmem>>) semaphore(%arg24 : memref<!tpu.dma_semaphore, #tpu.memory_space<semaphore_mem>>) {add = true}
      %dma_start3A_197 = arith.constant 1 : i32
      %dma_start3A_198 = arith.constant 0 : i32
      %dma_start3A_199 = tpu.memref_slice %arg13[%dma_start3A_197, %dma_start3A_198] : memref<4x50xi32, #tpu.memory_space<vmem>> -> memref<1x50xi32, #tpu.memory_space<vmem>>
      %dma_start3A_200 = tpu.memref_squeeze %dma_start3A_199 : memref<1x50xi32, #tpu.memory_space<vmem>> -> memref<50xi32, #tpu.memory_space<vmem>>
      %dma_start3A_201 = arith.constant 0 : i32
      %dma_start3A_202 = arith.constant 0 : i32
      %dma_start3A_203 = tpu.memref_slice %arg19[%dma_start3A_201, %dma_start3A_202] : memref<10000x128xf32, #tpu.memory_space<vmem_shared>> -> memref<10000x128xf32, #tpu.memory_space<vmem_shared>>
      tpu.enqueue_indirect_dma source(%arg9 : memref<50x128xf32, #tpu.memory_space<vmem>>) target(%dma_start3A_203 : memref<10000x128xf32, #tpu.memory_space<vmem_shared>>) offsets(%dma_start3A_200 : memref<50xi32, #tpu.memory_space<vmem>>) semaphore(%arg25 : memref<!tpu.dma_semaphore, #tpu.memory_space<semaphore_mem>>) {add = true}
      %dma_start3A_204 = arith.constant 2 : i32
      %dma_start3A_205 = arith.constant 0 : i32
      %dma_start3A_206 = tpu.memref_slice %arg13[%dma_start3A_204, %dma_start3A_205] : memref<4x50xi32, #tpu.memory_space<vmem>> -> memref<1x50xi32, #tpu.memory_space<vmem>>
      %dma_start3A_207 = tpu.memref_squeeze %dma_start3A_206 : memref<1x50xi32, #tpu.memory_space<vmem>> -> memref<50xi32, #tpu.memory_space<vmem>>
      %dma_start3A_208 = arith.constant 0 : i32
      %dma_start3A_209 = arith.constant 0 : i32
      %dma_start3A_210 = tpu.memref_slice %arg19[%dma_start3A_208, %dma_start3A_209] : memref<10000x128xf32, #tpu.memory_space<vmem_shared>> -> memref<10000x128xf32, #tpu.memory_space<vmem_shared>>
      tpu.enqueue_indirect_dma source(%arg9 : memref<50x128xf32, #tpu.memory_space<vmem>>) target(%dma_start3A_210 : memref<10000x128xf32, #tpu.memory_space<vmem_shared>>) offsets(%dma_start3A_207 : memref<50xi32, #tpu.memory_space<vmem>>) semaphore(%arg26 : memref<!tpu.dma_semaphore, #tpu.memory_space<semaphore_mem>>) {add = true}
      %dma_start3A_211 = arith.constant 3 : i32
      %dma_start3A_212 = arith.constant 0 : i32
      %dma_start3A_213 = tpu.memref_slice %arg13[%dma_start3A_211, %dma_start3A_212] : memref<4x50xi32, #tpu.memory_space<vmem>> -> memref<1x50xi32, #tpu.memory_space<vmem>>
      %dma_start3A_214 = tpu.memref_squeeze %dma_start3A_213 : memref<1x50xi32, #tpu.memory_space<vmem>> -> memref<50xi32, #tpu.memory_space<vmem>>
      %dma_start3A_215 = arith.constant 0 : i32
      %dma_start3A_216 = arith.constant 0 : i32
      %dma_start3A_217 = tpu.memref_slice %arg19[%dma_start3A_215, %dma_start3A_216] : memref<10000x128xf32, #tpu.memory_space<vmem_shared>> -> memref<10000x128xf32, #tpu.memory_space<vmem_shared>>
      tpu.enqueue_indirect_dma source(%arg9 : memref<50x128xf32, #tpu.memory_space<vmem>>) target(%dma_start3A_217 : memref<10000x128xf32, #tpu.memory_space<vmem_shared>>) offsets(%dma_start3A_214 : memref<50xi32, #tpu.memory_space<vmem>>) semaphore(%arg27 : memref<!tpu.dma_semaphore, #tpu.memory_space<semaphore_mem>>) {add = true}
    }
    %scan3A_82 = arith.constant 25 : i32
    %dma_wait3A_83 = arith.constant 0 : i32
    %dma_wait3A_84 = arith.constant 0 : i32
    %dma_wait3A_85 = tpu.memref_slice %arg13[%dma_wait3A_83, %dma_wait3A_84] : memref<4x50xi32, #tpu.memory_space<vmem>> -> memref<1x50xi32, #tpu.memory_space<vmem>>
    %dma_wait3A_86 = tpu.memref_squeeze %dma_wait3A_85 : memref<1x50xi32, #tpu.memory_space<vmem>> -> memref<50xi32, #tpu.memory_space<vmem>>
    %dma_wait3A_87 = arith.constant 0 : i32
    %dma_wait3A_88 = arith.constant 0 : i32
    %dma_wait3A_89 = tpu.memref_slice %arg19[%dma_wait3A_87, %dma_wait3A_88] : memref<10000x128xf32, #tpu.memory_space<vmem_shared>> -> memref<10000x128xf32, #tpu.memory_space<vmem_shared>>
    tpu.wait_indirect_dma semaphore(%arg24 : memref<!tpu.dma_semaphore, #tpu.memory_space<semaphore_mem>>) src(%arg9 : memref<50x128xf32, #tpu.memory_space<vmem>>) dst(%dma_wait3A_89 : memref<10000x128xf32, #tpu.memory_space<vmem_shared>>)
    %dma_wait3A_90 = arith.constant 1 : i32
    %dma_wait3A_91 = arith.constant 0 : i32
    %dma_wait3A_92 = tpu.memref_slice %arg13[%dma_wait3A_90, %dma_wait3A_91] : memref<4x50xi32, #tpu.memory_space<vmem>> -> memref<1x50xi32, #tpu.memory_space<vmem>>
    %dma_wait3A_93 = tpu.memref_squeeze %dma_wait3A_92 : memref<1x50xi32, #tpu.memory_space<vmem>> -> memref<50xi32, #tpu.memory_space<vmem>>
    %dma_wait3A_94 = arith.constant 0 : i32
    %dma_wait3A_95 = arith.constant 0 : i32
    %dma_wait3A_96 = tpu.memref_slice %arg19[%dma_wait3A_94, %dma_wait3A_95] : memref<10000x128xf32, #tpu.memory_space<vmem_shared>> -> memref<10000x128xf32, #tpu.memory_space<vmem_shared>>
    tpu.wait_indirect_dma semaphore(%arg25 : memref<!tpu.dma_semaphore, #tpu.memory_space<semaphore_mem>>) src(%arg9 : memref<50x128xf32, #tpu.memory_space<vmem>>) dst(%dma_wait3A_96 : memref<10000x128xf32, #tpu.memory_space<vmem_shared>>)
    %dma_wait3A_97 = arith.constant 2 : i32
    %dma_wait3A_98 = arith.constant 0 : i32
    %dma_wait3A_99 = tpu.memref_slice %arg13[%dma_wait3A_97, %dma_wait3A_98] : memref<4x50xi32, #tpu.memory_space<vmem>> -> memref<1x50xi32, #tpu.memory_space<vmem>>
    %dma_wait3A_100 = tpu.memref_squeeze %dma_wait3A_99 : memref<1x50xi32, #tpu.memory_space<vmem>> -> memref<50xi32, #tpu.memory_space<vmem>>
    %dma_wait3A_101 = arith.constant 0 : i32
    %dma_wait3A_102 = arith.constant 0 : i32
    %dma_wait3A_103 = tpu.memref_slice %arg19[%dma_wait3A_101, %dma_wait3A_102] : memref<10000x128xf32, #tpu.memory_space<vmem_shared>> -> memref<10000x128xf32, #tpu.memory_space<vmem_shared>>
    tpu.wait_indirect_dma semaphore(%arg26 : memref<!tpu.dma_semaphore, #tpu.memory_space<semaphore_mem>>) src(%arg9 : memref<50x128xf32, #tpu.memory_space<vmem>>) dst(%dma_wait3A_103 : memref<10000x128xf32, #tpu.memory_space<vmem_shared>>)
    %dma_wait3A_104 = arith.constant 3 : i32
    %dma_wait3A_105 = arith.constant 0 : i32
    %dma_wait3A_106 = tpu.memref_slice %arg13[%dma_wait3A_104, %dma_wait3A_105] : memref<4x50xi32, #tpu.memory_space<vmem>> -> memref<1x50xi32, #tpu.memory_space<vmem>>
    %dma_wait3A_107 = tpu.memref_squeeze %dma_wait3A_106 : memref<1x50xi32, #tpu.memory_space<vmem>> -> memref<50xi32, #tpu.memory_space<vmem>>
    %dma_wait3A_108 = arith.constant 0 : i32
    %dma_wait3A_109 = arith.constant 0 : i32
    %dma_wait3A_110 = tpu.memref_slice %arg19[%dma_wait3A_108, %dma_wait3A_109] : memref<10000x128xf32, #tpu.memory_space<vmem_shared>> -> memref<10000x128xf32, #tpu.memory_space<vmem_shared>>
    tpu.wait_indirect_dma semaphore(%arg27 : memref<!tpu.dma_semaphore, #tpu.memory_space<semaphore_mem>>) src(%arg9 : memref<50x128xf32, #tpu.memory_space<vmem>>) dst(%dma_wait3A_110 : memref<10000x128xf32, #tpu.memory_space<vmem_shared>>)
    %barrier3A_111 = arith.constant 0 : index
    tpu.barrier barrier_id(%barrier3A_111)
    %scan3A_112 = arith.constant 0 : i32
    %scan3A_113 = arith.constant 16 : i32
    %scan3A_114 = arith.addi %scan3A_112, %scan3A_113 : i32
    %scan3A_115 = arith.constant 1 : i32
    scf.for %scan3A_117 = %scan3A_112 to %scan3A_114 step %scan3A_115  : i32 {
      %mul3A_118 = arith.constant 1 : i32
      %mul3A_119 = arith.muli %scan3A_117, %mul3A_118 : i32
      %add3A_120 = arith.constant 0 : i32
      %add3A_121 = arith.addi %add3A_120, %mul3A_119 : i32
      %mul3A_122 = arith.constant 40 : i32
      %mul3A_123 = arith.muli %add3A_121, %mul3A_122 : i32
      %add3A_124 = arith.addi %mul3A_2, %mul3A_123 : i32
      "tpu.region"() ({
        %run_scoped3A = tpu.sem_alloc : memref<!tpu.dma_semaphore, #tpu.memory_space<semaphore_mem>>
        %dma_start3A_125 = arith.constant 0 : i32
        %dma_start3A_126 = tpu.memref_slice %arg19[%add3A_124, %dma_start3A_125] : memref<10000x128xf32, #tpu.memory_space<vmem_shared>> -> memref<40x128xf32, #tpu.memory_space<vmem_shared>>
        %dma_start3A_127 = arith.constant 0 : i32
        %dma_start3A_128 = tpu.memref_slice %arg19[%add3A_124, %dma_start3A_127] : memref<10000x128xf32, #tpu.memory_space<vmem_shared>> -> memref<40x128xf32, #tpu.memory_space<vmem_shared>>
        tpu.enqueue_dma source(%dma_start3A_128 : memref<40x128xf32, #tpu.memory_space<vmem_shared>>) target(%arg18 : memref<40x128xf32, #tpu.memory_space<vmem>>) target_semaphore(%run_scoped3A : memref<!tpu.dma_semaphore, #tpu.memory_space<semaphore_mem>>)
        %dma_wait3A_129 = arith.constant 0 : i32
        %dma_wait3A_130 = tpu.memref_slice %arg19[%add3A_124, %dma_wait3A_129] : memref<10000x128xf32, #tpu.memory_space<vmem_shared>> -> memref<40x128xf32, #tpu.memory_space<vmem_shared>>
        %dma_wait3A_131 = arith.constant 0 : i32
        %dma_wait3A_132 = tpu.memref_slice %arg19[%add3A_124, %dma_wait3A_131] : memref<10000x128xf32, #tpu.memory_space<vmem_shared>> -> memref<40x128xf32, #tpu.memory_space<vmem_shared>>
        tpu.wait_dma2 semaphore(%run_scoped3A : memref<!tpu.dma_semaphore, #tpu.memory_space<semaphore_mem>>) src(%dma_wait3A_132 : memref<40x128xf32, #tpu.memory_space<vmem_shared>>) dst(%arg18 : memref<40x128xf32, #tpu.memory_space<vmem>>)
        tpu.yield
      }) : () -> ()
      "tpu.region"() ({
        %run_scoped3A = tpu.sem_alloc : memref<!tpu.dma_semaphore, #tpu.memory_space<semaphore_mem>>
        %dma_start3A_125 = arith.constant 0 : i32
        %dma_start3A_126 = tpu.memref_slice %arg8[%arg0, %add3A_124, %dma_start3A_125] : memref<2x10000x128xf32, #tpu.memory_space<hbm>> -> memref<1x40x128xf32, #tpu.memory_space<hbm>>
        %dma_start3A_127 = tpu.memref_squeeze %dma_start3A_126 : memref<1x40x128xf32, #tpu.memory_space<hbm>> -> memref<40x128xf32, #tpu.memory_space<hbm>>
        %dma_start3A_128 = arith.constant 0 : i32
        %dma_start3A_129 = tpu.memref_slice %arg8[%arg0, %add3A_124, %dma_start3A_128] : memref<2x10000x128xf32, #tpu.memory_space<hbm>> -> memref<1x40x128xf32, #tpu.memory_space<hbm>>
        %dma_start3A_130 = tpu.memref_squeeze %dma_start3A_129 : memref<1x40x128xf32, #tpu.memory_space<hbm>> -> memref<40x128xf32, #tpu.memory_space<hbm>>
        tpu.enqueue_dma source(%arg18 : memref<40x128xf32, #tpu.memory_space<vmem>>) target(%dma_start3A_130 : memref<40x128xf32, #tpu.memory_space<hbm>>) target_semaphore(%run_scoped3A : memref<!tpu.dma_semaphore, #tpu.memory_space<semaphore_mem>>)
        %dma_wait3A_131 = arith.constant 0 : i32
        %dma_wait3A_132 = tpu.memref_slice %arg8[%arg0, %add3A_124, %dma_wait3A_131] : memref<2x10000x128xf32, #tpu.memory_space<hbm>> -> memref<1x40x128xf32, #tpu.memory_space<hbm>>
        %dma_wait3A_133 = tpu.memref_squeeze %dma_wait3A_132 : memref<1x40x128xf32, #tpu.memory_space<hbm>> -> memref<40x128xf32, #tpu.memory_space<hbm>>
        %dma_wait3A_134 = arith.constant 0 : i32
        %dma_wait3A_135 = tpu.memref_slice %arg8[%arg0, %add3A_124, %dma_wait3A_134] : memref<2x10000x128xf32, #tpu.memory_space<hbm>> -> memref<1x40x128xf32, #tpu.memory_space<hbm>>
        %dma_wait3A_136 = tpu.memref_squeeze %dma_wait3A_135 : memref<1x40x128xf32, #tpu.memory_space<hbm>> -> memref<40x128xf32, #tpu.memory_space<hbm>>
        tpu.wait_dma2 semaphore(%run_scoped3A : memref<!tpu.dma_semaphore, #tpu.memory_space<semaphore_mem>>) src(%arg18 : memref<40x128xf32, #tpu.memory_space<vmem>>) dst(%dma_wait3A_136 : memref<40x128xf32, #tpu.memory_space<hbm>>)
        tpu.yield
      }) : () -> ()
    }
    %scan3A_116 = arith.constant 16 : i32
    return
  }
}

module attributes {stable_mosaic.version = 14 : i64} {
  func.func @_tc_fused(%arg0: i32, %arg1: i32, %arg2: memref<1000x128xf32, #tpu.memory_space<vmem>>, %arg3: memref<2x1000x128xf32, #tpu.memory_space<vmem>>, %arg4: memref<2x1000x128xf32, #tpu.memory_space<vmem>>, %arg5: memref<128x128xf32, #tpu.memory_space<vmem>>, %arg6: memref<128xf32, #tpu.memory_space<vmem>>, %arg7: memref<128x128xf32, #tpu.memory_space<vmem>>, %arg8: memref<128xf32, #tpu.memory_space<vmem>>, %arg9: memref<128xf32, #tpu.memory_space<vmem>>, %arg10: memref<128xf32, #tpu.memory_space<vmem>>, %arg11: memref<1000x128xf32, #tpu.memory_space<vmem>>, %arg12: memref<10000x128xf32, #tpu.memory_space<vmem>>, %arg13: memref<8x128xf32, #tpu.memory_space<vmem>>) attributes {dimension_semantics = [#tpu.dimension_semantics<arbitrary>, #tpu.dimension_semantics<arbitrary>], iteration_bounds = array<i64: 2, 10>, scalar_prefetch = 0 : i64, scratch_operands = 2 : i64, tpu.core_type = #tpu.core_type<tc>, window_params = [{transform_indices = @transform_0, window_bounds = array<i64: 1000, 128>}, {transform_indices = @transform_1, window_bounds = array<i64: 2, 1000, 128>}, {transform_indices = @transform_2, window_bounds = array<i64: 2, 1000, 128>}, {pipeline_mode = #tpu.pipeline_mode<synchronous>, transform_indices = @transform_3, window_bounds = array<i64: 128, 128>}, {pipeline_mode = #tpu.pipeline_mode<synchronous>, transform_indices = @transform_4, window_bounds = array<i64: 128>}, {pipeline_mode = #tpu.pipeline_mode<synchronous>, transform_indices = @transform_5, window_bounds = array<i64: 128, 128>}, {pipeline_mode = #tpu.pipeline_mode<synchronous>, transform_indices = @transform_6, window_bounds = array<i64: 128>}, {pipeline_mode = #tpu.pipeline_mode<synchronous>, transform_indices = @transform_7, window_bounds = array<i64: 128>}, {pipeline_mode = #tpu.pipeline_mode<synchronous>, transform_indices = @transform_8, window_bounds = array<i64: 128>}, {transform_indices = @transform_9, window_bounds = array<i64: 1000, 128>}]} {
    %eq3A = arith.constant 0 : i32
    %eq3A_0 = arith.cmpi eq, %arg0, %eq3A : i32
    %convert_element_type3A = arith.extui %eq3A_0 : i1 to i32
    %cond3A = arith.constant 0 : i32
    %cond3A_1 = arith.cmpi ne, %convert_element_type3A, %cond3A : i32
    scf.if %cond3A_1 {
      %get3A = arith.constant 0 : index
      %get3A_7 = arith.constant 0 : index
      %get3A_8 = vector.load %arg2[%get3A, %get3A_7] : memref<1000x128xf32, #tpu.memory_space<vmem>>, vector<1000x128xf32>
      %get3A_9 = arith.constant 0 : index
      %get3A_10 = arith.constant 0 : index
      %get3A_11 = arith.constant 0 : index
      %get3A_12 = vector.load %arg3[%get3A_9, %get3A_10, %get3A_11] : memref<2x1000x128xf32, #tpu.memory_space<vmem>>, vector<1x1000x128xf32>
      %get3A_13 = vector.shape_cast %get3A_12 : vector<1x1000x128xf32> to vector<1000x128xf32>
      %get3A_14 = arith.constant 1 : index
      %get3A_15 = arith.constant 0 : index
      %get3A_16 = arith.constant 0 : index
      %get3A_17 = vector.load %arg3[%get3A_14, %get3A_15, %get3A_16] : memref<2x1000x128xf32, #tpu.memory_space<vmem>>, vector<1x1000x128xf32>
      %get3A_18 = vector.shape_cast %get3A_17 : vector<1x1000x128xf32> to vector<1000x128xf32>
      %add3A = arith.addf %get3A_13, %get3A_18 : vector<1000x128xf32>
      %get3A_19 = arith.constant 0 : index
      %get3A_20 = arith.constant 0 : index
      %get3A_21 = arith.constant 0 : index
      %get3A_22 = vector.load %arg4[%get3A_19, %get3A_20, %get3A_21] : memref<2x1000x128xf32, #tpu.memory_space<vmem>>, vector<1x1000x1xf32>
      %get3A_23 = vector.shape_cast %get3A_22 : vector<1x1000x1xf32> to vector<1000xf32>
      %get3A_24 = arith.constant 1 : index
      %get3A_25 = arith.constant 0 : index
      %get3A_26 = arith.constant 0 : index
      %get3A_27 = vector.load %arg4[%get3A_24, %get3A_25, %get3A_26] : memref<2x1000x128xf32, #tpu.memory_space<vmem>>, vector<1x1000x1xf32>
      %get3A_28 = vector.shape_cast %get3A_27 : vector<1x1000x1xf32> to vector<1000xf32>
      %add3A_29 = arith.addf %get3A_23, %get3A_28 : vector<1000xf32>
      %max3A = arith.constant 1.000000e+00 : f32
      %max3A_30 = vector.broadcast %max3A : f32 to vector<1000xf32>
      %max3A_31 = arith.maximumf %add3A_29, %max3A_30 : vector<1000xf32>
      %div3A = arith.constant 1.000000e+00 : f32
      %div3A_32 = vector.broadcast %div3A : f32 to vector<1000xf32>
      %div3A_33 = arith.divf %div3A_32, %max3A_31 : vector<1000xf32>
      %broadcast_in_dim3A = vector.shape_cast %div3A_33 : vector<1000xf32> to vector<1000x1xf32>
      %mul3A = vector.broadcast %broadcast_in_dim3A : vector<1000x1xf32> to vector<1000x128xf32>
      %mul3A_34 = arith.mulf %add3A, %mul3A : vector<1000x128xf32>
      %get3A_35 = arith.constant 0 : index
      %get3A_36 = arith.constant 0 : index
      %get3A_37 = vector.load %arg5[%get3A_35, %get3A_36] : memref<128x128xf32, #tpu.memory_space<vmem>>, vector<128x128xf32>
      %dot_general3A = arith.constant dense<0.000000e+00> : vector<1000x128xf32>
      %dot_general3A_38 = tpu.matmul %mul3A_34, %get3A_37, %dot_general3A {dimension_numbers = #tpu.dot_dimension_numbers<[1], [1], [0], [0], [0, 0, 1, 0], [], []>, precision = #tpu.contract_precision<fp32>, transpose_lhs_hint = false} : vector<1000x128xf32>, vector<128x128xf32>, vector<1000x128xf32> -> vector<1000x128xf32>
      %get3A_39 = arith.constant 0 : index
      %get3A_40 = arith.constant 0 : index
      %get3A_41 = vector.load %arg7[%get3A_39, %get3A_40] : memref<128x128xf32, #tpu.memory_space<vmem>>, vector<128x128xf32>
      %dot_general3A_42 = arith.constant dense<0.000000e+00> : vector<1000x128xf32>
      %dot_general3A_43 = tpu.matmul %get3A_8, %get3A_41, %dot_general3A_42 {dimension_numbers = #tpu.dot_dimension_numbers<[1], [1], [0], [0], [0, 0, 1, 0], [], []>, precision = #tpu.contract_precision<fp32>, transpose_lhs_hint = false} : vector<1000x128xf32>, vector<128x128xf32>, vector<1000x128xf32> -> vector<1000x128xf32>
      %add3A_44 = arith.addf %dot_general3A_38, %dot_general3A_43 : vector<1000x128xf32>
      %get3A_45 = arith.constant 0 : index
      %get3A_46 = vector.load %arg6[%get3A_45] : memref<128xf32, #tpu.memory_space<vmem>>, vector<128xf32>
      %broadcast_in_dim3A_47 = vector.shape_cast %get3A_46 : vector<128xf32> to vector<1x128xf32>
      %add3A_48 = vector.broadcast %broadcast_in_dim3A_47 : vector<1x128xf32> to vector<1000x128xf32>
      %add3A_49 = arith.addf %add3A_44, %add3A_48 : vector<1000x128xf32>
      %add3A_50 = arith.addf %add3A_49, %get3A_8 : vector<1000x128xf32>
      %max3A_51 = arith.constant 0.000000e+00 : f32
      %max3A_52 = vector.broadcast %max3A_51 : f32 to vector<1000x128xf32>
      %max3A_53 = arith.maximumf %add3A_50, %max3A_52 : vector<1000x128xf32>
      %mul3A_54 = arith.constant 1000 : i32
      %mul3A_55 = arith.muli %arg1, %mul3A_54 : i32
      %swap3A = arith.index_cast %mul3A_55 : i32 to index
      %swap3A_56 = arith.constant 0 : index
      %swap3A_57 = vector.load %arg12[%swap3A, %swap3A_56] : memref<10000x128xf32, #tpu.memory_space<vmem>>, vector<1000x128xf32>
      tpu.vector_store %arg12[%swap3A, %swap3A_56], %max3A_53 {strides = array<i32>} : memref<10000x128xf32, #tpu.memory_space<vmem>>, vector<1000x128xf32>,
      %reduce_sum3A = arith.constant dense<0.000000e+00> : vector<128xf32>
      %reduce_sum3A_58 = vector.multi_reduction <add>, %max3A_53, %reduce_sum3A [0] : vector<1000x128xf32> to vector<128xf32>
      %broadcast_in_dim3A_59 = vector.shape_cast %reduce_sum3A_58 : vector<128xf32> to vector<1x128xf32>
      %mul3A_60 = arith.mulf %max3A_53, %max3A_53 : vector<1000x128xf32>
      %reduce_sum3A_61 = arith.constant dense<0.000000e+00> : vector<128xf32>
      %reduce_sum3A_62 = vector.multi_reduction <add>, %mul3A_60, %reduce_sum3A_61 [0] : vector<1000x128xf32> to vector<128xf32>
      %broadcast_in_dim3A_63 = vector.shape_cast %reduce_sum3A_62 : vector<128xf32> to vector<1x128xf32>
      %eq3A_64 = arith.constant 0 : i32
      %eq3A_65 = arith.cmpi eq, %arg1, %eq3A_64 : i32
      %convert_element_type3A_66 = arith.extui %eq3A_65 : i1 to i32
      %cond3A_67 = arith.constant 0 : i32
      %cond3A_68 = arith.cmpi ne, %convert_element_type3A_66, %cond3A_67 : i32
      scf.if %cond3A_68 {
        %swap3A_73 = arith.constant 0 : index
        %swap3A_74 = arith.constant 0 : index
        %swap3A_75 = vector.load %arg13[%swap3A_73, %swap3A_74] : memref<8x128xf32, #tpu.memory_space<vmem>>, vector<1x128xf32>
        tpu.vector_store %arg13[%swap3A_73, %swap3A_74], %broadcast_in_dim3A_59 {strides = array<i32>} : memref<8x128xf32, #tpu.memory_space<vmem>>, vector<1x128xf32>,
        %swap3A_76 = arith.constant 1 : index
        %swap3A_77 = arith.constant 0 : index
        %swap3A_78 = vector.load %arg13[%swap3A_76, %swap3A_77] : memref<8x128xf32, #tpu.memory_space<vmem>>, vector<1x128xf32>
        tpu.vector_store %arg13[%swap3A_76, %swap3A_77], %broadcast_in_dim3A_63 {strides = array<i32>} : memref<8x128xf32, #tpu.memory_space<vmem>>, vector<1x128xf32>,
      } else {
      }
      %gt3A = arith.constant 0 : i32
      %gt3A_69 = arith.cmpi sgt, %arg1, %gt3A : i32
      %convert_element_type3A_70 = arith.extui %gt3A_69 : i1 to i32
      %cond3A_71 = arith.constant 0 : i32
      %cond3A_72 = arith.cmpi ne, %convert_element_type3A_70, %cond3A_71 : i32
      scf.if %cond3A_72 {
        %get3A_73 = arith.constant 0 : index
        %get3A_74 = arith.constant 0 : index
        %get3A_75 = vector.load %arg13[%get3A_73, %get3A_74] : memref<8x128xf32, #tpu.memory_space<vmem>>, vector<1x128xf32>
        %add3A_76 = arith.addf %get3A_75, %broadcast_in_dim3A_59 : vector<1x128xf32>
        %swap3A_77 = arith.constant 0 : index
        %swap3A_78 = arith.constant 0 : index
        %swap3A_79 = vector.load %arg13[%swap3A_77, %swap3A_78] : memref<8x128xf32, #tpu.memory_space<vmem>>, vector<1x128xf32>
        tpu.vector_store %arg13[%swap3A_77, %swap3A_78], %add3A_76 {strides = array<i32>} : memref<8x128xf32, #tpu.memory_space<vmem>>, vector<1x128xf32>,
        %get3A_80 = arith.constant 1 : index
        %get3A_81 = arith.constant 0 : index
        %get3A_82 = vector.load %arg13[%get3A_80, %get3A_81] : memref<8x128xf32, #tpu.memory_space<vmem>>, vector<1x128xf32>
        %add3A_83 = arith.addf %get3A_82, %broadcast_in_dim3A_63 : vector<1x128xf32>
        %swap3A_84 = arith.constant 1 : index
        %swap3A_85 = arith.constant 0 : index
        %swap3A_86 = vector.load %arg13[%swap3A_84, %swap3A_85] : memref<8x128xf32, #tpu.memory_space<vmem>>, vector<1x128xf32>
        tpu.vector_store %arg13[%swap3A_84, %swap3A_85], %add3A_83 {strides = array<i32>} : memref<8x128xf32, #tpu.memory_space<vmem>>, vector<1x128xf32>,
      } else {
      }
    } else {
    }
    %eq3A_2 = arith.constant 1 : i32
    %eq3A_3 = arith.cmpi eq, %arg0, %eq3A_2 : i32
    %convert_element_type3A_4 = arith.extui %eq3A_3 : i1 to i32
    %cond3A_5 = arith.constant 0 : i32
    %cond3A_6 = arith.cmpi ne, %convert_element_type3A_4, %cond3A_5 : i32
    scf.if %cond3A_6 {
      %mul3A = arith.constant 1000 : i32
      %mul3A_7 = arith.muli %arg1, %mul3A : i32
      %get3A = arith.index_cast %mul3A_7 : i32 to index
      %get3A_8 = arith.constant 0 : index
      %get3A_9 = vector.load %arg12[%get3A, %get3A_8] : memref<10000x128xf32, #tpu.memory_space<vmem>>, vector<1000x128xf32>
      %get3A_10 = arith.constant 0 : index
      %get3A_11 = arith.constant 0 : index
      %get3A_12 = vector.load %arg13[%get3A_10, %get3A_11] : memref<8x128xf32, #tpu.memory_space<vmem>>, vector<1x128xf32>
      %get3A_13 = vector.shape_cast %get3A_12 : vector<1x128xf32> to vector<128xf32>
      %div3A = arith.constant 1.000000e+04 : f32
      %div3A_14 = vector.broadcast %div3A : f32 to vector<128xf32>
      %div3A_15 = arith.divf %get3A_13, %div3A_14 : vector<128xf32>
      %get3A_16 = arith.constant 1 : index
      %get3A_17 = arith.constant 0 : index
      %get3A_18 = vector.load %arg13[%get3A_16, %get3A_17] : memref<8x128xf32, #tpu.memory_space<vmem>>, vector<1x128xf32>
      %get3A_19 = vector.shape_cast %get3A_18 : vector<1x128xf32> to vector<128xf32>
      %div3A_20 = arith.constant 1.000000e+04 : f32
      %div3A_21 = vector.broadcast %div3A_20 : f32 to vector<128xf32>
      %div3A_22 = arith.divf %get3A_19, %div3A_21 : vector<128xf32>
      %get3A_23 = arith.constant 0 : index
      %get3A_24 = vector.load %arg10[%get3A_23] : memref<128xf32, #tpu.memory_space<vmem>>, vector<128xf32>
      %mul3A_25 = arith.mulf %div3A_15, %div3A_15 : vector<128xf32>
      %mul3A_26 = arith.mulf %mul3A_25, %get3A_24 : vector<128xf32>
      %sub3A = arith.constant 2.000000e+00 : f32
      %sub3A_27 = vector.broadcast %sub3A : f32 to vector<128xf32>
      %sub3A_28 = arith.subf %get3A_24, %sub3A_27 : vector<128xf32>
      %mul3A_29 = arith.mulf %mul3A_26, %sub3A_28 : vector<128xf32>
      %add3A = arith.addf %div3A_22, %mul3A_29 : vector<128xf32>
      %get3A_30 = arith.constant 0 : index
      %get3A_31 = vector.load %arg8[%get3A_30] : memref<128xf32, #tpu.memory_space<vmem>>, vector<128xf32>
      %add3A_32 = arith.constant 9.99999974E-6 : f32
      %add3A_33 = vector.broadcast %add3A_32 : f32 to vector<128xf32>
      %add3A_34 = arith.addf %add3A, %add3A_33 : vector<128xf32>
      %rsqrt3A = math.rsqrt %add3A_34 : vector<128xf32>
      %mul3A_35 = arith.mulf %get3A_31, %rsqrt3A : vector<128xf32>
      %get3A_36 = arith.constant 0 : index
      %get3A_37 = vector.load %arg9[%get3A_36] : memref<128xf32, #tpu.memory_space<vmem>>, vector<128xf32>
      %mul3A_38 = arith.mulf %div3A_15, %get3A_24 : vector<128xf32>
      %mul3A_39 = arith.mulf %mul3A_38, %mul3A_35 : vector<128xf32>
      %sub3A_40 = arith.subf %get3A_37, %mul3A_39 : vector<128xf32>
      %broadcast_in_dim3A = vector.shape_cast %mul3A_35 : vector<128xf32> to vector<1x128xf32>
      %mul3A_41 = vector.broadcast %broadcast_in_dim3A : vector<1x128xf32> to vector<1000x128xf32>
      %mul3A_42 = arith.mulf %get3A_9, %mul3A_41 : vector<1000x128xf32>
      %broadcast_in_dim3A_43 = vector.shape_cast %sub3A_40 : vector<128xf32> to vector<1x128xf32>
      %add3A_44 = vector.broadcast %broadcast_in_dim3A_43 : vector<1x128xf32> to vector<1000x128xf32>
      %add3A_45 = arith.addf %mul3A_42, %add3A_44 : vector<1000x128xf32>
      %swap3A = arith.constant 0 : index
      %swap3A_46 = arith.constant 0 : index
      %swap3A_47 = vector.load %arg11[%swap3A, %swap3A_46] : memref<1000x128xf32, #tpu.memory_space<vmem>>, vector<1000x128xf32>
      tpu.vector_store %arg11[%swap3A, %swap3A_46], %add3A_45 {strides = array<i32>} : memref<1000x128xf32, #tpu.memory_space<vmem>>, vector<1000x128xf32>,
    } else {
    }
    return
  }
  func.func @transform_0(%arg0: i32, %arg1: i32) -> (i32, i32) {
    %sub3A = arith.constant 1 : i32
    %sub3A_0 = arith.subi %sub3A, %arg0 : i32
    %mul3A = arith.muli %arg1, %sub3A_0 : i32
    %mul3A_1 = arith.constant 9 : i32
    %mul3A_2 = arith.muli %mul3A_1, %arg0 : i32
    %add3A = arith.addi %mul3A, %mul3A_2 : i32
    %c0_i32 = arith.constant 0 : i32
    %c0_i32_3 = arith.constant 0 : i32
    return %add3A, %c0_i32 : i32, i32
  }
  func.func @transform_1(%arg0: i32, %arg1: i32) -> (i32, i32, i32) {
    %sub3A = arith.constant 1 : i32
    %sub3A_0 = arith.subi %sub3A, %arg0 : i32
    %mul3A = arith.muli %arg1, %sub3A_0 : i32
    %mul3A_1 = arith.constant 9 : i32
    %mul3A_2 = arith.muli %mul3A_1, %arg0 : i32
    %add3A = arith.addi %mul3A, %mul3A_2 : i32
    %c0_i32 = arith.constant 0 : i32
    %c0_i32_3 = arith.constant 0 : i32
    %c0_i32_4 = arith.constant 0 : i32
    return %c0_i32, %add3A, %c0_i32_3 : i32, i32, i32
  }
  func.func @transform_2(%arg0: i32, %arg1: i32) -> (i32, i32, i32) {
    %sub3A = arith.constant 1 : i32
    %sub3A_0 = arith.subi %sub3A, %arg0 : i32
    %mul3A = arith.muli %arg1, %sub3A_0 : i32
    %mul3A_1 = arith.constant 9 : i32
    %mul3A_2 = arith.muli %mul3A_1, %arg0 : i32
    %add3A = arith.addi %mul3A, %mul3A_2 : i32
    %c0_i32 = arith.constant 0 : i32
    %c0_i32_3 = arith.constant 0 : i32
    %c0_i32_4 = arith.constant 0 : i32
    return %c0_i32, %add3A, %c0_i32_3 : i32, i32, i32
  }
  func.func @transform_3(%arg0: i32, %arg1: i32) -> (i32, i32) {
    %c0_i32 = arith.constant 0 : i32
    %c0_i32_0 = arith.constant 0 : i32
    %c0_i32_1 = arith.constant 0 : i32
    return %c0_i32, %c0_i32_0 : i32, i32
  }
  func.func @transform_4(%arg0: i32, %arg1: i32) -> i32 {
    %c0_i32 = arith.constant 0 : i32
    %c0_i32_0 = arith.constant 0 : i32
    return %c0_i32 : i32
  }
  func.func @transform_5(%arg0: i32, %arg1: i32) -> (i32, i32) {
    %c0_i32 = arith.constant 0 : i32
    %c0_i32_0 = arith.constant 0 : i32
    %c0_i32_1 = arith.constant 0 : i32
    return %c0_i32, %c0_i32_0 : i32, i32
  }
  func.func @transform_6(%arg0: i32, %arg1: i32) -> i32 {
    %c0_i32 = arith.constant 0 : i32
    %c0_i32_0 = arith.constant 0 : i32
    return %c0_i32 : i32
  }
  func.func @transform_7(%arg0: i32, %arg1: i32) -> i32 {
    %c0_i32 = arith.constant 0 : i32
    %c0_i32_0 = arith.constant 0 : i32
    return %c0_i32 : i32
  }
  func.func @transform_8(%arg0: i32, %arg1: i32) -> i32 {
    %c0_i32 = arith.constant 0 : i32
    %c0_i32_0 = arith.constant 0 : i32
    return %c0_i32 : i32
  }
  func.func @transform_9(%arg0: i32, %arg1: i32) -> (i32, i32) {
    %c0_i32 = arith.constant 0 : i32
    %c0_i32_0 = arith.constant 0 : i32
    return %arg1, %c0_i32 : i32, i32
  }
}

</mosaic_0001>

<sc_bundles>
// kernel: kernel.4.cloned.1.call-start
scs
__scs_entry_jumppad:
0x0: {  	(pc) =	sbr.rel $0x88, $3  }
0x1: {  	(tag) =	ssettag $0x0;
	lr =	simm.s32 $0x1  }
0x2: {  	[smem:$0x3F99] =	sst lr;
	_ =	strace $0xD0000000  }
0x3: {  	_ = 	snop  }
0x4: {  	_ = 	snop  }
0x5: {  	_ = 	snop  }
0x6: {  	_ = 	snop  }
0x7: {  	_ = 	snop  }
__scs_overlays_trampoline_lowered:
0x8: {  	[smem:$0x3FA8] =	sst s0  }
0x9: {  	[smem:$0x3FA9] =	sst s1  }
0xa: {  	[smem:$0x3FAA] =	sst s2  }
0xb: {  	[smem:$0x3FAB] =	sst s3  }
0xc: {  	[smem:$0x3FAC] =	sst s4  }
0xd: {  	[smem:$0x3FAD] =	sst s5  }
0xe: {  	[smem:$0x3FAE] =	sst s6  }
0xf: {  	[smem:$0x3FAF] =	sst s7  }
0x10: {  	[smem:$0x3FB0] =	sst s8  }
0x11: {  	[smem:$0x3FB1] =	sst s9;
	s0 =	simm.s32 @!p0 $0x0  }
0x12: {  	s1 =	sld [smem:$0x3F97];
	s0 =	simm.s32 @p0 $0x1  }
0x13: {  	[smem:$0x3FB2] =	sst s0;
	s0 =	simm.s32 @!p1 $0x0  }
0x14: {  	s2 =	sld [smem:$0x3F96];
	s0 =	simm.s32 @p1 $0x1  }
0x15: {  	[smem:$0x3FB3] =	sst s0;
	s0 =	simm.s32 @!p2 $0x0  }
0x16: {  	s3 =	sld [smem:$0x3FDB];
	s0 =	simm.s32 @p2 $0x1  }
0x17: {  	s4 =	simm.s32 $0x1BF5;
	[smem:$0x3FB5] =	sst s0  }
0x18: {  	s0 =	sld [smem:$0x3F98];
	_ =	swait.ge [sflag:s4], $0x0  }
0x19: {  	s7 =	sld [smem:$0x3F99]  }
0x1a: {  	s8 =	sadd.s32 $0xFFFFE003, lr  }
0x1b: {  	s9 =	sadd.s32 $0xFFFFFEF7, lr;
	s5 =	simm.s32 $0xFFFFFFFF;
	p2 =	slt.u32 s8, $0xFFFFF086  }
0x1c: {  	p1 =	slt.u32 s9, $0xF7A;
	s5 =	simm.s32 @!p2 $0x0  }
0x1d: {  	s5 =	simm.s32 @p1 $0x1;
	p0 =	seq.s32 s7, s2  }
0x1e: {  	s7 =	smul.u32 @!p0 $0xF7A, s2;
	p2 =	seq.s32 @!p0 s5, $0x0  }
0x1f: {  	s9 =	smul.u32 $0xF7A, s1;
	s8 =	simm.s32 @!p0 $0x1BF5;
	p2 =	por !p2, p0  }
0x20: {  	[sflag:s8] =	ssyncset.s32 @!p0 $0xFFFFF086;
	s6 =	sadd.s32 @!p0 s3, s7;
	s7 =	simm.s32 @!p0 $0x108  }
0x21: {  	s3 =	sadd.s32 s3, s9;
	s6 =	sadd.s32 @!p0 $0x88, s6;
	s7 =	simm.s32 @p2 $0x1082  }
0x22: {  	[simem:s7], [sflag:s8] =	dma.local @!p0 [hbm:s6], $0xF7A  }
0x23: {  	s9 =	sor.u32 $0xD0000000, s2;
	s6 =	simm.s32 $0x108;
	_ =	swait.ge @!p0 [sflag:s8], $0x0  }
0x24: {  	s3 =	sadd.s32 $0x88, s3;
	s6 =	simm.s32 @!p1 $0x1082;
	[sflag:s4] =	ssyncset.s32 $0xFFFFF086  }
0x25: {  	[simem:s6], [sflag:s4] =	dma.local [hbm:s3], $0xF7A  }
0x26: {  	[smem:$0x3F99] =	sst s1;
	(tag) =	ssettag s2;
	_ =	strace s9  }
0x27: {  	s1 =	sld [smem:$0x3FA9]  }
0x28: {  	s2 =	sld [smem:$0x3FAA]  }
0x29: {  	s4 =	sld [smem:$0x3FAC]  }
0x2a: {  	p0 =	seq.s32 s5, $0x0;
	s5 =	sld [smem:$0x3FAD]  }
0x2b: {  	s6 =	sld [smem:$0x3FAE]  }
0x2c: {  	s7 =	sld [smem:$0x3FAF]  }
0x2d: {  	s3 =	simm.s32 $0x108;
	s8 =	sld [smem:$0x3FB0]  }
0x2e: {  	s3 =	simm.s32 @!p0 $0x1082;
	s9 =	sld [smem:$0x3FB1]  }
0x2f: {  	lr =	sadd.s32 s0, s3;
	s0 =	sld [smem:$0x3FA8]  }
0x30: {  	s3 =	sld [smem:$0x3FAB]  }
0x31: {  	[smem:$0x3FB4] =	sst s10  }
0x32: {  	s10 =	sld [smem:$0x3FB2];
	_ =	sdelay $0x3  }
0x33: {  	p0 =	seq.s32 s10, $0x1;
	s10 =	sld [smem:$0x3FB4];
	_ =	sdelay $0x3  }
0x34: {  	[smem:$0x3FB4] =	sst s10  }
0x35: {  	s10 =	sld [smem:$0x3FB3];
	_ =	sdelay $0x3  }
0x36: {  	p1 =	seq.s32 s10, $0x1;
	s10 =	sld [smem:$0x3FB4];
	_ =	sdelay $0x3  }
0x37: {  	[smem:$0x3FB4] =	sst s10  }
0x38: {  	s10 =	sld [smem:$0x3FB5]  }
0x39: {  	_ = 	snop;
	(pc) =	sbr.ind lr, $3  }
0x3a: {  	_ = 	snop  }
0x3b: {  	_ = 	snop  }
0x3c: {  	p2 =	seq.s32 s10, $0x1;
	s10 =	sld [smem:$0x3FB4]  }
0x3d: {  	_ =	shalt  }
0x3e: {  	_ =	shalt  }
0x3f: {  	_ =	shalt  }
0x40: {  	_ =	shalt  }
0x41: {  	_ =	shalt  }
0x42: {  	_ =	shalt  }
0x43: {  	_ =	shalt  }
0x44: {  	_ =	shalt  }
0x45: {  	_ =	shalt  }
0x46: {  	_ =	shalt  }
0x47: {  	_ =	shalt  }
0x48: {  	_ =	shalt  }
0x49: {  	_ =	shalt  }
0x4a: {  	_ =	shalt  }
0x4b: {  	_ =	shalt  }
0x4c: {  	_ =	shalt  }
0x4d: {  	_ =	shalt  }
0x4e: {  	_ =	shalt  }
0x4f: {  	_ =	shalt  }
0x50: {  	_ =	shalt  }
0x51: {  	_ =	shalt  }
0x52: {  	_ =	shalt  }
0x53: {  	_ =	shalt  }
0x54: {  	_ =	shalt  }
0x55: {  	_ =	shalt  }
0x56: {  	_ =	shalt  }
0x57: {  	_ =	shalt  }
0x58: {  	_ =	shalt  }
0x59: {  	_ =	shalt  }
0x5a: {  	_ =	shalt  }
0x5b: {  	_ =	shalt  }
0x5c: {  	_ =	shalt  }
0x5d: {  	_ =	shalt  }
0x5e: {  	_ =	shalt  }
0x5f: {  	_ =	shalt  }
0x60: {  	_ =	shalt  }
0x61: {  	_ =	shalt  }
0x62: {  	_ =	shalt  }
0x63: {  	_ =	shalt  }
0x64: {  	_ =	shalt  }
0x65: {  	_ =	shalt  }
0x66: {  	_ =	shalt  }
0x67: {  	_ =	shalt  }
0x68: {  	_ =	shalt  }
0x69: {  	_ =	shalt  }
0x6a: {  	_ =	shalt  }
0x6b: {  	_ =	shalt  }
0x6c: {  	_ =	shalt  }
0x6d: {  	_ =	shalt  }
0x6e: {  	_ =	shalt  }
0x6f: {  	_ =	shalt  }
0x70: {  	_ =	shalt  }
0x71: {  	_ =	shalt  }
0x72: {  	_ =	shalt  }
0x73: {  	_ =	shalt  }
0x74: {  	_ =	shalt  }
0x75: {  	_ =	shalt  }
0x76: {  	_ =	shalt  }
0x77: {  	_ =	shalt  }
0x78: {  	_ =	shalt  }
0x79: {  	_ =	shalt  }
0x7a: {  	_ =	shalt  }
0x7b: {  	_ =	shalt  }
0x7c: {  	_ =	shalt  }
0x7d: {  	_ =	shalt  }
0x7e: {  	_ =	shalt  }
0x7f: {  	_ =	shalt  }
0x80: {  	_ =	shalt  }
0x81: {  	_ =	shalt  }
0x82: {  	_ =	shalt  }
0x83: {  	_ =	shalt  }
0x84: {  	_ =	shalt  }
0x85: {  	_ =	shalt  }
0x86: {  	_ =	shalt  }
0x87: {  	_ =	shalt  }
.Lfunc_end0:
.L_simem_size_0:
called_computation_lowered:
.L_overlay_start_0:
0x88: {  	s2 =	sld [smem:$0x3FD9]  }
0x89: {  	s3 =	sld [smem:$0x3FFE];
	_ =	sdelay $0x1  }
0x8a: {  	s1 =	srdreg.scid  }
0x8b: {  	s0 =	sand.u32 $0x1, s1  }
0x8c: {  	s17 =	sshll.u32 s0, $0xA;
	s2 =	sadd.s32 s3, s2  }
0x8d: {  	s2 =	sadd.s32 s2, s17  }
0x8e: {  	[smem:$0x3FC0] =	sst s2  }
0x8f: {  	_ = 	snop  }
0x90: {  	s2 =	sld [smem:$0x3FC9]  }
0x91: {  	s18 =	sld [smem:$0x3FD0];
	(tm) =	ssettm $0x1  }
0x92: {  	s4 =	sld [smem:$0x3FFB];
	_ =	sdelay $0x3  }
0x93: {  	_ =	strace s4  }
0x94: {  	s4 =	sld [smem:$0x3FFC];
	_ =	sdelay $0x3  }
0x95: {  	_ =	strace s4  }
0x96: {  	s4 =	sld [smem:$0x3FFD];
	_ =	sdelay $0x3  }
0x97: {  	_ =	strace s4  }
0x98: {  	_ =	strace $0x8FFFFFFF  }
0x99: {  	s19 =	sld [smem:$0x3FDB];
	_ =	sdelay $0x1  }
0x9a: {  	s5 =	simm.s32 $_scs_section_size  }
0x9b: {  	s6 =	simm.s32 $_size__tile_overlayer_lowered;
	s7 =	simm.s32 $_tile_overlayer_lowered  }
0x9c: {  	s22 =	simm.s32 $0x1BFF;
	s21 =	sshll.u32 s7, $0x1;
	s4 =	sadd.s32 s5, s19  }
0x9d: {  	s8 =	simm.s32 $0x0;
	s20 =	sshll.u32 s6, $0x1;
	s6 =	sadd.s32 s21, s4  }
0x9e: {  	[timem:s8], [sflag:s22] =	dma.local [hbm:s6], s20  }
0x9f: {  	_ =	swait.ge [sflag:s22], s20  }
0xa0: {  	s5 =	ssub.s32 $0x0, s20;
	[sflag:s22] =	ssyncset.done $0x0  }
0xa1: {  	[sflag:s22] =	ssyncadd.s32 s5;
	_ =	sdelay $0x1  }
0xa2: {  	s23 =	simm.s32 $0x1B8B  }
0xa3: {  	_ =	swait.ge [sflag:s23], $0x1  }
0xa4: {  	[sflag:s23] =	ssyncset.done $0x0  }
0xa5: {  	s25 =	simm.s32 $0x1B8E;
	s24 =	sld [smem:$0x3FFE];
	[sflag:s23] =	ssyncadd.s32 $0xFFFFFFFF  }
0xa6: {  	s26 =	simm.s32 $execute0_lowered;
	[smem:$0x3FD2] =	sst s25  }
0xa7: {  	s6 =	sshll.u32 s26, $0x1;
	_ =	strace $0x80000046;
	[dreg:$0x1] =	wrdreg $0xFFFFFFFF  }
0xa8: {  	s28 =	simm.s32 $_size_execute0_lowered;
	s4 =	sadd.s32 s4, s6;
	[dreg:$0x0] =	wrdreg $0x0  }
0xa9: {  	s6 =	sshll.u32 s28, $0x1;
	[dreg:$0x2] =	wrdreg s4  }
0xaa: {  	[dreg:$0x3] =	wrdreg s6  }
0xab: {  	[dreg:$0x4] =	wrdreg $0xC0  }
0xac: {  	_ =	task [dreg:s8], $0x5FFFF  }
0xad: {  	[dreg:$0x1] =	wrdreg $0xFFFFFFFF  }
0xae: {  	[dreg:$0x0] =	wrdreg $0x60  }
0xaf: {  	[dreg:$0x2] =	wrdreg s2  }
0xb0: {  	[dreg:$0x3] =	wrdreg s18  }
0xb1: {  	[dreg:$0x4] =	wrdreg s24  }
0xb2: {  	[dreg:$0x5] =	wrdreg $0xA8000  }
0xb3: {  	[dreg:$0x6] =	wrdreg $0x9  }
0xb4: {  	_ =	task.clear_ibuf [dreg:s8], $0x7FFFF;
	_ =	strace $0x90000046  }
0xb5: {  	s29 =	simm.s32 $0x9;
	_ =	strace $0x80000048  }
0xb6: {  	_ =	swait.ge [sflag:s29], $0x1  }
0xb7: {  	[sflag:s29] =	ssyncadd.s32 $0xFFFFFFFF  }
0xb8: {  	_ =	strace $0x90000048  }
0xb9: {  	_ =	sfence  }
0xba: {  	s30 =	sld [smem:$0x0];
	_ =	sdelay $0x2  }
0xbb: {  	s31 =	sshll.u32 s1, $0xD;
	s1 =	sshrl.u32 s1, $0x2  }
0xbc: {  	s3 =	sand.u32 $0x4000, s31;
	s1 =	sadd.s32 s1, s30  }
0xbd: {  	s0 =	sor.u32 s3, s0;
	s1 =	sshll.u32 s1, $0x11  }
0xbe: {  	s0 =	sor.u32 s1, s0  }
0xbf: {  	s0 =	sadd.s32 $0x8F2B, s0  }
0xc0: {  	[sflag:s0] =	ssyncadd.remote.s32 $0x1  }
0xc1: {  	_ =	sfence.sel $0xFFFF  }
0xc2: {  	[dreg:$0x0] =	wrdreg $0xFFFFFFFF;
	(pc) =	sbr.abs _section_cstart, $3  }
0xc3: {  	[dreg:$0x1] =	wrdreg $0xFFFFFFFF  }
0xc4: {  	_ =	task.clear_ibuf [dreg:s8], $0x2FFFF;
	_ =	strace $0x9FFFFFFF  }
0xc5: {  	(tm) =	ssettm $0x7FFFFFFF  }
tec
execute0_lowered:
.L_overlay_start_1:
0x0: {  	(tag) =	ssettag $0x1  }
0x1: {  	s1 =	rddreg [dreg:$0x0]  }
0x2: {  	s30 =	rddreg [dreg:$0x1]  }
0x3: {  	s0 =	rddreg [dreg:$0x2]  }
0x4: {  	s3 =	rddreg [dreg:$0x3]  }
0x5: {  	s2 =	srdreg.scid;
	s10 =	stileid.u32  }
0x6: {  	s5 =	simm.s32 $0x0;
	s28 =	simm.s32 $0x3;
	s6 =	smul.u32 $0x13800, s10  }
0x7: {  	s31 =	simm.s32 $0x4;
	s2 =	sand.u32 $0x1, s2;
	s15 =	smul.u32 $0x4E000, s10  }
0x8: {  	[smem:$0x7FF] =	sst s5;
	s11 =	sadd.s32 $0x1600, s0;
	s18 =	smul.u32 $0x6400, s10  }
0x9: {  	s8 =	sadd.s32 $0x1A600, s0;
	s13 =	sadd.s32 $0x1AA00, s0;
	s4 =	smul.u32 $0x138800, s2  }
0xa: {  	_ =	strace $0x80000047;
	s7 =	sshll.u32 s2, $0x4;
	[dreg:$0xb] =	wrdreg s8  }
0xb: {  	[dreg:$0xc] =	wrdreg s13;
	s14 =	ssub.s32 $0x2, s2;
	s2 =	smul.u32 $0x64000, s2  }
0xc: {  	s8 =	simm.s32 $0x1D80;
	s13 =	simm.s32 $0x1F00;
	[smem:$0x7F5] =	sst s11  }
0xd: {  	s12 =	sor.u32 s10, s7;
	s16 =	sshrl.u32 s14, $0x1;
	[dreg:$0x7] =	wrdreg s8  }
0xe: {  	s7 =	sshrl.u32 s15, $0x2;
	s10 =	simm.s32 $0x1E80;
	[dreg:$0x9] =	wrdreg s13  }
0xf: {  	s15 =	simm.s32 $0x1F80;
	s13 =	simm.s32 $0xB;
	s8 =	simm.s32 $0xC  }
0x10: {  	s4 =	sadd.s32 s6, s4;
	s6 =	smul.u32 $0x6400, s12;
	[dreg:$0x8] =	wrdreg s10  }
0x11: {  	s29 =	sadd.s32 s7, s3;
	s2 =	sadd.s32 s18, s2;
	[dreg:$0xa] =	wrdreg s15  }
0x12: {  	s15 =	simm.s32 $0x7800;
	s19 =	sadd.s32 $0x1400, s29;
	[dreg:$0x10] =	wrdreg s29  }
0x13: {  	s10 =	simm.s32 $0x2;
	s20 =	sadd.s32 $0x2800, s29;
	[dreg:$0x11] =	wrdreg s19  }
0x14: {  	s4 =	sshrl.u32 s4, $0x3;
	s7 =	sadd.s32 $0x3C00, s29;
	[dreg:$0x12] =	wrdreg s20  }
0x15: {  	s21 =	sor.u32 $0x200, s2;
	s22 =	sadd.s32 $0x5000, s29;
	[dreg:$0x13] =	wrdreg s7  }
0x16: {  	s23 =	sadd.s32 $0x6400, s29;
	s24 =	sadd.s32 $0x7800, s29;
	[dreg:$0x14] =	wrdreg s22  }
0x17: {  	s26 =	sadd.s32 $0x8C00, s29;
	s12 =	sadd.s32 $0x400, s2;
	[dreg:$0x15] =	wrdreg s23  }
0x18: {  	s18 =	sadd.s32 $0xC800, s29;
	s0 =	sadd.s32 s4, s0;
	[dreg:$0x16] =	wrdreg s24  }
0x19: {  	s9 =	sshrl.u32 s6, $0x3;
	s4 =	ssub.s32 s14, s16;
	[dreg:$0x17] =	wrdreg s26  }
0x1a: {  	s6 =	sor.u32 $0x200, s6;
	[dreg:$0x19] =	wrdreg s12;
	s14 =	sadd.s32 $0x800, s2  }
0x1b: {  	s2 =	sadd.s32 $0x600, s2;
	s16 =	sadd.s32 $0xA000, s29;
	[smem:$0x7F6] =	sst s18  }
0x1c: {  	s20 =	sadd.s32 $0xDC00, s29;
	s22 =	sadd.s32 $0x10400, s29;
	[dreg:$0x1e] =	wrdreg s16  }
0x1d: {  	s23 =	sadd.s32 $0x11800, s29;
	s24 =	sadd.s32 $0x12C00, s29;
	[smem:$0x7F7] =	sst s20  }
0x1e: {  	s18 =	simm.s32 $0xA;
	s12 =	simm.s32 $0x5;
	[smem:$0x7F9] =	sst s22  }
0x1f: {  	s17 =	sadd.s32 s30, s9;
	s9 =	sadd.s32 s11, s9;
	[smem:$0x7FA] =	sst s23  }
0x20: {  	s4 =	smax.u32 s4, $0x1;
	s6 =	sshrl.u32 s6, $0x3;
	[smem:$0x7FB] =	sst s24  }
0x21: {  	s7 =	sadd.s32 $0x1AE00, s0;
	s2 =	sshrl.u32 s2, $0x3;
	[dreg:$0xd] =	wrdreg s17  }
0x22: {  	s20 =	simm.s32 $0x9400;
	s16 =	simm.s32 $0x2000;
	[dreg:$0xf] =	wrdreg s4  }
0x23: {  	s24 =	simm.s32 $0x1E00;
	s23 =	simm.s32 $0x1;
	[dreg:$0xe] =	wrdreg s9  }
0x24: {  	s22 =	simm.s32 $0x8;
	s6 =	sadd.s32 s11, s6;
	[dreg:$0x1a] =	wrdreg s7  }
0x25: {  	s4 =	sshrl.u32 s21, $0x3;
	s2 =	sadd.s32 s2, s11;
	[dreg:$0x18] =	wrdreg s6  }
0x26: {  	s17 =	sadd.s32 $0xB400, s29;
	s21 =	sadd.s32 $0xF000, s29;
	[dreg:$0x1c] =	wrdreg s2  }
0x27: {  	s26 =	sadd.s32 $0xC40, s9;
	s25 =	sadd.s32 s4, s11;
	[dreg:$0x1f] =	wrdreg s17  }
0x28: {  	s4 =	sadd.s32 s4, s30;
	s6 =	sshrl.u32 s14, $0x3;
	[smem:$0x7F8] =	sst s21  }
0x29: {  	[smem:$0x7FD] =	sst s26;
	s21 =	simm.s32 $0x9;
	s14 =	simm.s32 $0x32  }
0x2a: {  	s17 =	simm.s32 $0x2200;
	s2 =	simm.s32 $0x6;
	[dreg:$0x5] =	wrdreg s25  }
0x2b: {  	s26 =	simm.s32 $0x0;
	[dreg:$0x6] =	wrdreg s4;
	s25 =	sadd.s32 $0x80, s9  }
0x2c: {  	s19 =	sadd.s32 s6, s11;
	s11 =	sadd.s32 $0x69000, s0;
	[smem:$0x7FC] =	sst s25  }
0x2d: {  	s9 =	simm.s32 $0xD;
	s4 =	simm.s32 $0x2080;
	[dreg:$0x1b] =	wrdreg s19  }
0x2e: {  	s6 =	simm.s32 $0x7;
	s25 =	simm.s32 $0x2380;
	[dreg:$0x1d] =	wrdreg s11  }
.LBB2_1:
0x2f: {  	[smem:$0x7F4] =	sst s26  }
0x30: {  	s0 =	rddreg [dreg:$0xb]  }
0x31: {  	[tilespmem:s20], [sflag:$0xD] =	stream.linear.gather [hbm4b:s0+s5], $0x1400, $0x38;
	[tilespmem:$0x1E080] =	vst v63  }
0x32: {  	_ =	swait.ge [sflag:s9], $0x1400  }
0x33: {  	[sflag:s9] =	ssyncset.done $0x0  }
0x34: {  	s19 =	rddreg [dreg:$0xc];
	[sflag:s9] =	ssyncadd.s32 $0xFFFFEC00  }
0x35: {  	[tilespmem:s5], [sflag:$0xD] =	stream.linear.gather [hbm4b:s19+s5], $0x1900, $0x38;
	[tilespmem:$0x1E080] =	vst v63  }
0x36: {  	_ =	swait.ge [sflag:s9], $0x1900  }
0x37: {  	[sflag:s9] =	ssyncset.done $0x0  }
0x38: {  	[sflag:s9] =	ssyncadd.s32 $0xFFFFE700  }
0x39: {  	[spmem:s29] =	stream.linear.scatter [tilespmem:s20], [sflag:$0xD], $0x1400, $0x38;
	[tilespmem:$0x1E080] =	vst v63  }
0x3a: {  	_ =	swait.ge [sflag:s9], $0x1400  }
0x3b: {  	[sflag:s9] =	ssyncset.done $0x0  }
0x3c: {  	s26 =	rddreg [dreg:$0x11];
	[sflag:s9] =	ssyncadd.s32 $0xFFFFEC00  }
0x3d: {  	[spmem:s26] =	stream.linear.scatter [tilespmem:s20], [sflag:$0xD], $0x1400, $0x38;
	[tilespmem:$0x1E080] =	vst v63  }
0x3e: {  	_ =	swait.ge [sflag:s9], $0x1400  }
0x3f: {  	[sflag:s9] =	ssyncset.done $0x0  }
0x40: {  	s29 =	rddreg [dreg:$0x12];
	[sflag:s9] =	ssyncadd.s32 $0xFFFFEC00  }
0x41: {  	[spmem:s29] =	stream.linear.scatter [tilespmem:s20], [sflag:$0xD], $0x1400, $0x38;
	[tilespmem:$0x1E080] =	vst v63  }
0x42: {  	_ =	swait.ge [sflag:s9], $0x1400  }
0x43: {  	[sflag:s9] =	ssyncset.done $0x0  }
0x44: {  	s7 =	rddreg [dreg:$0x13];
	[sflag:s9] =	ssyncadd.s32 $0xFFFFEC00  }
0x45: {  	[spmem:s7] =	stream.linear.scatter [tilespmem:s20], [sflag:$0xD], $0x1400, $0x38;
	[tilespmem:$0x1E080] =	vst v63  }
0x46: {  	_ =	swait.ge [sflag:s9], $0x1400  }
0x47: {  	[sflag:s9] =	ssyncset.done $0x0  }
0x48: {  	s11 =	rddreg [dreg:$0x14];
	[sflag:s9] =	ssyncadd.s32 $0xFFFFEC00  }
0x49: {  	[spmem:s11] =	stream.linear.scatter [tilespmem:s20], [sflag:$0xD], $0x1400, $0x38;
	[tilespmem:$0x1E080] =	vst v63  }
0x4a: {  	_ =	swait.ge [sflag:s9], $0x1400  }
0x4b: {  	[sflag:s9] =	ssyncset.done $0x0  }
0x4c: {  	s19 =	rddreg [dreg:$0x15];
	[sflag:s9] =	ssyncadd.s32 $0xFFFFEC00  }
0x4d: {  	[spmem:s19] =	stream.linear.scatter [tilespmem:s20], [sflag:$0xD], $0x1400, $0x38;
	[tilespmem:$0x1E080] =	vst v63  }
0x4e: {  	_ =	swait.ge [sflag:s9], $0x1400  }
0x4f: {  	[sflag:s9] =	ssyncset.done $0x0  }
0x50: {  	s26 =	rddreg [dreg:$0x16];
	[sflag:s9] =	ssyncadd.s32 $0xFFFFEC00  }
0x51: {  	[spmem:s26] =	stream.linear.scatter [tilespmem:s20], [sflag:$0xD], $0x1400, $0x38;
	[tilespmem:$0x1E080] =	vst v63  }
0x52: {  	_ =	swait.ge [sflag:s9], $0x1400  }
0x53: {  	[sflag:s9] =	ssyncset.done $0x0  }
0x54: {  	s29 =	rddreg [dreg:$0x17];
	[sflag:s9] =	ssyncadd.s32 $0xFFFFEC00  }
0x55: {  	[spmem:s29] =	stream.linear.scatter [tilespmem:s20], [sflag:$0xD], $0x1400, $0x38;
	[tilespmem:$0x1E080] =	vst v63  }
0x56: {  	_ =	swait.ge [sflag:s9], $0x1400  }
0x57: {  	[sflag:s9] =	ssyncset.done $0x0  }
0x58: {  	s7 =	rddreg [dreg:$0x1e];
	[sflag:s9] =	ssyncadd.s32 $0xFFFFEC00  }
0x59: {  	[spmem:s7] =	stream.linear.scatter [tilespmem:s20], [sflag:$0xD], $0x1400, $0x38;
	[tilespmem:$0x1E080] =	vst v63  }
0x5a: {  	_ =	swait.ge [sflag:s9], $0x1400  }
0x5b: {  	[sflag:s9] =	ssyncset.done $0x0  }
0x5c: {  	s11 =	rddreg [dreg:$0x1f];
	[sflag:s9] =	ssyncadd.s32 $0xFFFFEC00  }
0x5d: {  	[spmem:s11] =	stream.linear.scatter [tilespmem:s20], [sflag:$0xD], $0x1400, $0x38;
	[tilespmem:$0x1E080] =	vst v63  }
0x5e: {  	_ =	swait.ge [sflag:s9], $0x1400  }
0x5f: {  	s19 =	sld [smem:$0x7F6]  }
0x60: {  	[sflag:s9] =	ssyncset.done $0x0  }
0x61: {  	[sflag:s9] =	ssyncadd.s32 $0xFFFFEC00  }
0x62: {  	[spmem:s19] =	stream.linear.scatter [tilespmem:s20], [sflag:$0xD], $0x1400, $0x38;
	[tilespmem:$0x1E080] =	vst v63  }
0x63: {  	_ =	swait.ge [sflag:s9], $0x1400  }
0x64: {  	s26 =	sld [smem:$0x7F7]  }
0x65: {  	[sflag:s9] =	ssyncset.done $0x0  }
0x66: {  	[sflag:s9] =	ssyncadd.s32 $0xFFFFEC00  }
0x67: {  	[spmem:s26] =	stream.linear.scatter [tilespmem:s20], [sflag:$0xD], $0x1400, $0x38;
	[tilespmem:$0x1E080] =	vst v63  }
0x68: {  	_ =	swait.ge [sflag:s9], $0x1400  }
0x69: {  	s29 =	sld [smem:$0x7F8]  }
0x6a: {  	[sflag:s9] =	ssyncset.done $0x0  }
0x6b: {  	[sflag:s9] =	ssyncadd.s32 $0xFFFFEC00  }
0x6c: {  	[spmem:s29] =	stream.linear.scatter [tilespmem:s20], [sflag:$0xD], $0x1400, $0x38;
	[tilespmem:$0x1E080] =	vst v63  }
0x6d: {  	_ =	swait.ge [sflag:s9], $0x1400  }
0x6e: {  	s7 =	sld [smem:$0x7F9]  }
0x6f: {  	[sflag:s9] =	ssyncset.done $0x0  }
0x70: {  	[sflag:s9] =	ssyncadd.s32 $0xFFFFEC00  }
0x71: {  	[spmem:s7] =	stream.linear.scatter [tilespmem:s20], [sflag:$0xD], $0x1400, $0x38;
	[tilespmem:$0x1E080] =	vst v63  }
0x72: {  	_ =	swait.ge [sflag:s9], $0x1400  }
0x73: {  	s11 =	sld [smem:$0x7FA]  }
0x74: {  	[sflag:s9] =	ssyncset.done $0x0  }
0x75: {  	[sflag:s9] =	ssyncadd.s32 $0xFFFFEC00  }
0x76: {  	[spmem:s11] =	stream.linear.scatter [tilespmem:s20], [sflag:$0xD], $0x1400, $0x38;
	[tilespmem:$0x1E080] =	vst v63  }
0x77: {  	_ =	swait.ge [sflag:s9], $0x1400  }
0x78: {  	s19 =	sld [smem:$0x7FB]  }
0x79: {  	[sflag:s9] =	ssyncset.done $0x0  }
0x7a: {  	[sflag:s9] =	ssyncadd.s32 $0xFFFFEC00  }
0x7b: {  	[spmem:s19] =	stream.linear.scatter [tilespmem:s20], [sflag:$0xD], $0x1400, $0x38;
	[tilespmem:$0x1E080] =	vst v63  }
0x7c: {  	_ =	swait.ge [sflag:s9], $0x1400  }
0x7d: {  	[sflag:s9] =	ssyncset.done $0x0  }
0x7e: {  	[sflag:s9] =	ssyncadd.s32 $0xFFFFEC00  }
0x7f: {  	[bflag:$0x0] =	sbarrier.arrive $0xFFFF  }
0x80: {  	s7 =	simm.s32 $0x1C00;
	s26 =	rddreg [dreg:$0xd]  }
0x81: {  	[tilespmem:s7], [sflag:$0x9] =	stream.linear.gather [hbm4b:s26+s5], $0x200, $0x38;
	[tilespmem:$0x1E080] =	vst v63  }
0x82: {  	s29 =	rddreg [dreg:$0xe]  }
0x83: {  	[tilespmem:s16], [sflag:$0xB] =	stream.linear.gather [hbm4b:s29+s5], $0x200, $0x38;
	[tilespmem:$0x1E080] =	vst v63  }
0x84: {  	_ =	swait.ge [sflag:s21], $0x200  }
0x85: {  	[sflag:s21] =	ssyncset.done $0x0  }
0x86: {  	[sflag:s21] =	ssyncadd.s32 $0xFFFFFE00  }
0x87: {  	p0 =	por $0x1, $0x1;
	_ =	swait.ge [sflag:s13], $0x200  }
0x88: {  	s16 =	simm.s32 @p0 $0x1C00;
	[sflag:s13] =	ssyncset.done $0x0  }
0x89: {  	s29 =	simm.s32 @p0 $0x2400;
	s21 =	simm.s32 @p0 $0x32;
	[sflag:s13] =	ssyncadd.s32 $0xFFFFFE00  }
0x8a: {  	[tilespmem:s29], [sflag:$0x1] =	stream.indirect.gather @p0 [hbm4b:s1+s21], $0x80, s16, s21, $0xb8;
	[tilespmem:$0x1E080] =	vst v63  }
0x8b: {  	s16 =	simm.s32 @p0 $0x1C80;
	s29 =	simm.s32 @p0 $0x4000  }
0x8c: {  	[tilespmem:s29], [sflag:$0x2] =	stream.indirect.gather @p0 [hbm4b:s1+s21], $0x80, s16, s21, $0xb8;
	[tilespmem:$0x1E080] =	vst v63  }
0x8d: {  	s7 =	simm.s32 @p0 $0x1D00;
	s29 =	simm.s32 @p0 $0x5C00;
	s16 =	simm.s32 @!p0 $0x5  }
0x8e: {  	[tilespmem:s29], [sflag:$0x3] =	stream.indirect.gather @p0 [hbm4b:s1+s21], $0x80, s7, s21, $0xb8;
	[tilespmem:$0x1E080] =	vst v63  }
0x8f: {  	_ =	swait.ge @!p0 [sflag:s16], $0x1900  }
0x90: {  	s7 =	simm.s32 @!p0 $0x2400;
	s29 =	simm.s32 @!p0 $0x32;
	[sflag:s16] =	ssyncset.done @!p0 $0x0  }
0x91: {  	s21 =	simm.s32 @!p0 $0x1C00;
	[sflag:s16] =	ssyncadd.s32 @!p0 $0xFFFFE700;
	s16 =	simm.s32 @!p0 $0x6  }
0x92: {  	[tilespmem:s7], [sflag:$0x1] =	stream.indirect.gather @!p0 [hbm4b:s1+s29], $0x80, s21, s29, $0xb8;
	[tilespmem:$0x1E080] =	vst v63  }
0x93: {  	_ =	swait.ge @!p0 [sflag:s16], $0x1900  }
0x94: {  	s7 =	simm.s32 @!p0 $0x1C80;
	[sflag:s16] =	ssyncset.done @!p0 $0x0  }
0x95: {  	s21 =	simm.s32 @!p0 $0x4000;
	[sflag:s16] =	ssyncadd.s32 @!p0 $0xFFFFE700;
	s16 =	simm.s32 @!p0 $0x7  }
0x96: {  	[tilespmem:s21], [sflag:$0x2] =	stream.indirect.gather @!p0 [hbm4b:s1+s29], $0x80, s7, s29, $0xb8;
	[tilespmem:$0x1E080] =	vst v63  }
0x97: {  	_ =	swait.ge @!p0 [sflag:s16], $0x1900  }
0x98: {  	s7 =	simm.s32 @!p0 $0x1D00;
	[sflag:s16] =	ssyncset.done @!p0 $0x0  }
0x99: {  	s21 =	simm.s32 @!p0 $0x5C00;
	[sflag:s16] =	ssyncadd.s32 @!p0 $0xFFFFE700;
	s16 =	simm.s32 @!p0 $0x8  }
0x9a: {  	[tilespmem:s21], [sflag:$0x3] =	stream.indirect.gather @!p0 [hbm4b:s1+s29], $0x80, s7, s29, $0xb8;
	[tilespmem:$0x1E080] =	vst v63  }
0x9b: {  	_ =	swait.ge @!p0 [sflag:s16], $0x1900  }
0x9c: {  	s7 =	rddreg [dreg:$0x7];
	[sflag:s16] =	ssyncset.done @!p0 $0x0  }
0x9d: {  	s11 =	rddreg [dreg:$0x6];
	[sflag:s16] =	ssyncadd.s32 @!p0 $0xFFFFE700  }
0x9e: {  	[tilespmem:s15], [sflag:$0x4] =	stream.indirect.gather [hbm4b:s1+s14], $0x80, s7, s14, $0xb8;
	[tilespmem:$0x1E080] =	vst v63  }
0x9f: {  	s19 =	rddreg [dreg:$0x5];
	s20 =	sadd.s32 $0x0, s11  }
0xa0: {  	[tilespmem:s24], [sflag:$0xA] =	stream.linear.gather [hbm4b:s20+s5], $0x200, $0x38;
	[tilespmem:$0x1E080] =	vst v63  }
0xa1: {  	s16 =	sadd.s32 $0x0, s19  }
0xa2: {  	[tilespmem:s17], [sflag:$0xC] =	stream.linear.gather [hbm4b:s16+s5], $0x200, $0x38;
	[tilespmem:$0x1E080] =	vst v63  }
0xa3: {  	_ =	swait.ge [sflag:s23], $0x1900  }
0xa4: {  	[sflag:s23] =	ssyncset.done $0x0  }
0xa5: {  	s0 =	simm.s32 $0x2000;
	s11 =	simm.s32 $0x2400;
	[sflag:s23] =	ssyncadd.s32 $0xFFFFE700  }
0xa6: {  	[spmem:s3] =	stream.indirect.scatter.add.f32 [tilespmem:s11], [sflag:$0x5], $0x80, s0, s14, $0xb8;
	[tilespmem:$0x1E080] =	vst v63  }
0xa7: {  	_ =	swait.ge [sflag:s10], $0x1900  }
0xa8: {  	[sflag:s10] =	ssyncset.done $0x0  }
0xa9: {  	s7 =	simm.s32 $0x4000;
	[sflag:s10] =	ssyncadd.s32 $0xFFFFE700  }
0xaa: {  	[spmem:s3] =	stream.indirect.scatter.add.f32 [tilespmem:s7], [sflag:$0x6], $0x80, s4, s14, $0xb8;
	[tilespmem:$0x1E080] =	vst v63  }
0xab: {  	_ =	swait.ge [sflag:s28], $0x1900  }
0xac: {  	[sflag:s28] =	ssyncset.done $0x0  }
0xad: {  	s29 =	simm.s32 $0x2100;
	s4 =	simm.s32 $0x5C00;
	[sflag:s28] =	ssyncadd.s32 $0xFFFFE700  }
0xae: {  	[spmem:s3] =	stream.indirect.scatter.add.f32 [tilespmem:s4], [sflag:$0x7], $0x80, s29, s14, $0xb8;
	[tilespmem:$0x1E080] =	vst v63  }
0xaf: {  	_ =	swait.ge [sflag:s31], $0x1900  }
0xb0: {  	[sflag:s31] =	ssyncset.done $0x0  }
0xb1: {  	s16 =	simm.s32 $0x2180;
	[sflag:s31] =	ssyncadd.s32 $0xFFFFE700  }
0xb2: {  	[spmem:s3] =	stream.indirect.scatter.add.f32 [tilespmem:s15], [sflag:$0x8], $0x80, s16, s14, $0xb8;
	[tilespmem:$0x1E080] =	vst v63  }
0xb3: {  	_ =	swait.ge [sflag:s18], $0x200  }
0xb4: {  	[sflag:s18] =	ssyncset.done $0x0  }
0xb5: {  	[sflag:s18] =	ssyncadd.s32 $0xFFFFFE00  }
0xb6: {  	_ =	swait.ge [sflag:s8], $0x200  }
0xb7: {  	[sflag:s8] =	ssyncset.done $0x0  }
0xb8: {  	[sflag:s8] =	ssyncadd.s32 $0xFFFFFE00  }
0xb9: {  	_ =	swait.ge [sflag:s12], $0x1900  }
0xba: {  	[sflag:s12] =	ssyncset.done $0x0  }
0xbb: {  	[sflag:s12] =	ssyncadd.s32 $0xFFFFE700  }
0xbc: {  	[tilespmem:s11], [sflag:$0x1] =	stream.indirect.gather [hbm4b:s1+s14], $0x80, s24, s14, $0xb8;
	[tilespmem:$0x1E080] =	vst v63  }
0xbd: {  	_ =	swait.ge [sflag:s2], $0x1900  }
0xbe: {  	[sflag:s2] =	ssyncset.done $0x0  }
0xbf: {  	s18 =	rddreg [dreg:$0x8];
	[sflag:s2] =	ssyncadd.s32 $0xFFFFE700  }
0xc0: {  	[tilespmem:s7], [sflag:$0x2] =	stream.indirect.gather [hbm4b:s1+s14], $0x80, s18, s14, $0xb8;
	[tilespmem:$0x1E080] =	vst v63  }
0xc1: {  	_ =	swait.ge [sflag:s6], $0x1900  }
0xc2: {  	[sflag:s6] =	ssyncset.done $0x0  }
0xc3: {  	s19 =	rddreg [dreg:$0x9];
	[sflag:s6] =	ssyncadd.s32 $0xFFFFE700  }
0xc4: {  	[tilespmem:s4], [sflag:$0x3] =	stream.indirect.gather [hbm4b:s1+s14], $0x80, s19, s14, $0xb8;
	[tilespmem:$0x1E080] =	vst v63  }
0xc5: {  	_ =	swait.ge [sflag:s22], $0x1900  }
0xc6: {  	s20 =	rddreg [dreg:$0xa]  }
0xc7: {  	p0 =	por $0x0, $0x0;
	[sflag:s22] =	ssyncset.done $0x0;
	s0 =	rddreg [dreg:$0x19]  }
0xc8: {  	s19 =	sld [smem:$0x7F5];
	[sflag:s22] =	ssyncadd.s32 $0xFFFFE700;
	s21 =	sshrl.u32 @!p0 s0, $0x3  }
0xc9: {  	[tilespmem:s15], [sflag:$0x4] =	stream.indirect.gather [hbm4b:s1+s14], $0x80, s20, s14, $0xb8;
	[tilespmem:$0x1E080] =	vst v63  }
0xca: {  	s16 =	simm.s32 @!p0 $0x0;
	s18 =	simm.s32 @!p0 $0x1C00;
	s29 =	sadd.s32 @!p0 s30, s21  }
0xcb: {  	[tilespmem:s18], [sflag:$0x9] =	stream.linear.gather @!p0 [hbm4b:s29+s16], $0x200, $0x38;
	[tilespmem:$0x1E080] =	vst v63  }
0xcc: {  	s21 =	sadd.s32 @!p0 s19, s21;
	s29 =	simm.s32 @!p0 $0x2000  }
0xcd: {  	[tilespmem:s29], [sflag:$0xB] =	stream.linear.gather @!p0 [hbm4b:s21+s16], $0x200, $0x38;
	[tilespmem:$0x1E080] =	vst v63  }
0xce: {  	_ =	swait.ge [sflag:s23], $0x1900  }
0xcf: {  	[sflag:s23] =	ssyncset.done $0x0  }
0xd0: {  	[sflag:s23] =	ssyncadd.s32 $0xFFFFE700  }
0xd1: {  	[spmem:s3] =	stream.indirect.scatter.add.f32 [tilespmem:s11], [sflag:$0x5], $0x80, s17, s14, $0xb8;
	[tilespmem:$0x1E080] =	vst v63  }
0xd2: {  	_ =	swait.ge [sflag:s10], $0x1900  }
0xd3: {  	[sflag:s10] =	ssyncset.done $0x0  }
0xd4: {  	s24 =	simm.s32 $0x2280;
	[sflag:s10] =	ssyncadd.s32 $0xFFFFE700  }
0xd5: {  	[spmem:s3] =	stream.indirect.scatter.add.f32 [tilespmem:s7], [sflag:$0x6], $0x80, s24, s14, $0xb8;
	[tilespmem:$0x1E080] =	vst v63  }
0xd6: {  	_ =	swait.ge [sflag:s28], $0x1900  }
0xd7: {  	s26 =	simm.s32 $0x9;
	s18 =	simm.s32 $0xA;
	[sflag:s28] =	ssyncset.done $0x0  }
0xd8: {  	s29 =	simm.s32 $0x2300;
	s16 =	simm.s32 $0x80;
	[sflag:s28] =	ssyncadd.s32 $0xFFFFE700  }
0xd9: {  	[spmem:s3] =	stream.indirect.scatter.add.f32 [tilespmem:s4], [sflag:$0x7], $0x80, s29, s14, $0xb8;
	[tilespmem:$0x1E080] =	vst v63  }
0xda: {  	s21 =	smov.u32 s0;
	s11 =	smov.u32 s30;
	_ =	swait.ge [sflag:s31], $0x1900  }
0xdb: {  	s30 =	simm.s32 $0x1E00;
	s4 =	simm.s32 $0x2400;
	[sflag:s31] =	ssyncset.done $0x0  }
.LBB2_2:
0xdc: {  	[sflag:s31] =	ssyncadd.s32 $0xFFFFE700  }
0xdd: {  	[spmem:s3] =	stream.indirect.scatter.add.f32 [tilespmem:s15], [sflag:$0x8], $0x80, s25, s14, $0xb8;
	[tilespmem:$0x1E080] =	vst v63  }
0xde: {  	_ =	swait.ge [sflag:s26], $0x200  }
0xdf: {  	[sflag:s26] =	ssyncset.done $0x0  }
0xe0: {  	s29 =	smov.u32 s16;
	[sflag:s26] =	ssyncadd.s32 $0xFFFFFE00  }
0xe1: {  	p1 =	seq.s32 s29, $0x0;
	_ =	swait.ge [sflag:s13], $0x200  }
0xe2: {  	s0 =	simm.s32 @p1 $0x32;
	[sflag:s13] =	ssyncset.done $0x0  }
0xe3: {  	s23 =	simm.s32 @p1 $0x1C00;
	s24 =	simm.s32 @p1 $0x2400;
	[sflag:s13] =	ssyncadd.s32 $0xFFFFFE00  }
0xe4: {  	[tilespmem:s24], [sflag:$0x1] =	stream.indirect.gather @p1 [hbm4b:s1+s0], $0x80, s23, s0, $0xb8;
	[tilespmem:$0x1E080] =	vst v63  }
0xe5: {  	s25 =	simm.s32 @p1 $0x1C80;
	s23 =	simm.s32 @p1 $0x4000  }
0xe6: {  	[tilespmem:s23], [sflag:$0x2] =	stream.indirect.gather @p1 [hbm4b:s1+s0], $0x80, s25, s0, $0xb8;
	[tilespmem:$0x1E080] =	vst v63  }
0xe7: {  	s7 =	simm.s32 @p1 $0x5C00;
	s24 =	simm.s32 @p1 $0x1D00;
	s23 =	simm.s32 @!p1 $0x5  }
0xe8: {  	[tilespmem:s7], [sflag:$0x3] =	stream.indirect.gather @p1 [hbm4b:s1+s0], $0x80, s24, s0, $0xb8;
	[tilespmem:$0x1E080] =	vst v63  }
0xe9: {  	_ =	swait.ge @!p1 [sflag:s23], $0x1900  }
0xea: {  	s0 =	simm.s32 @!p1 $0x2400;
	s7 =	simm.s32 @!p1 $0x32;
	[sflag:s23] =	ssyncset.done @!p1 $0x0  }
0xeb: {  	s24 =	simm.s32 @!p1 $0x1C00;
	[sflag:s23] =	ssyncadd.s32 @!p1 $0xFFFFE700;
	s23 =	simm.s32 @!p1 $0x6  }
0xec: {  	[tilespmem:s0], [sflag:$0x1] =	stream.indirect.gather @!p1 [hbm4b:s1+s7], $0x80, s24, s7, $0xb8;
	[tilespmem:$0x1E080] =	vst v63  }
0xed: {  	_ =	swait.ge @!p1 [sflag:s23], $0x1900  }
0xee: {  	s0 =	simm.s32 @!p1 $0x1C80;
	[sflag:s23] =	ssyncset.done @!p1 $0x0  }
0xef: {  	s24 =	simm.s32 @!p1 $0x4000;
	[sflag:s23] =	ssyncadd.s32 @!p1 $0xFFFFE700;
	s23 =	simm.s32 @!p1 $0x7  }
0xf0: {  	[tilespmem:s24], [sflag:$0x2] =	stream.indirect.gather @!p1 [hbm4b:s1+s7], $0x80, s0, s7, $0xb8;
	[tilespmem:$0x1E080] =	vst v63  }
0xf1: {  	_ =	swait.ge @!p1 [sflag:s23], $0x1900  }
0xf2: {  	s0 =	simm.s32 @!p1 $0x1D00;
	[sflag:s23] =	ssyncset.done @!p1 $0x0  }
0xf3: {  	s24 =	simm.s32 @!p1 $0x5C00;
	[sflag:s23] =	ssyncadd.s32 @!p1 $0xFFFFE700;
	s23 =	simm.s32 @!p1 $0x8  }
0xf4: {  	[tilespmem:s24], [sflag:$0x3] =	stream.indirect.gather @!p1 [hbm4b:s1+s7], $0x80, s0, s7, $0xb8;
	[tilespmem:$0x1E080] =	vst v63  }
0xf5: {  	_ =	swait.ge @!p1 [sflag:s23], $0x1900  }
0xf6: {  	[sflag:s23] =	ssyncset.done @!p1 $0x0;
	s7 =	rddreg [dreg:$0x7]  }
0xf7: {  	s20 =	simm.s32 $0x7800;
	s25 =	rddreg [dreg:$0x6];
	[sflag:s23] =	ssyncadd.s32 @!p1 $0xFFFFE700  }
0xf8: {  	[tilespmem:s20], [sflag:$0x4] =	stream.indirect.gather [hbm4b:s1+s14], $0x80, s7, s14, $0xb8;
	[tilespmem:$0x1E080] =	vst v63  }
0xf9: {  	s24 =	rddreg [dreg:$0x5];
	s25 =	sadd.s32 s29, s25  }
0xfa: {  	[tilespmem:s30], [sflag:$0xA] =	stream.linear.gather [hbm4b:s25+s5], $0x200, $0x38;
	[tilespmem:$0x1E080] =	vst v63  }
0xfb: {  	s10 =	simm.s32 $0x1;
	s13 =	simm.s32 $0x2200;
	s7 =	sadd.s32 s29, s24  }
0xfc: {  	[tilespmem:s13], [sflag:$0xC] =	stream.linear.gather [hbm4b:s7+s5], $0x200, $0x38;
	[tilespmem:$0x1E080] =	vst v63  }
0xfd: {  	_ =	swait.ge [sflag:s10], $0x1900  }
0xfe: {  	[sflag:s10] =	ssyncset.done $0x0  }
0xff: {  	s28 =	simm.s32 $0x2;
	[sflag:s10] =	ssyncadd.s32 $0xFFFFE700;
	s10 =	simm.s32 $0x2000  }
0x100: {  	[spmem:s3] =	stream.indirect.scatter.add.f32 [tilespmem:s4], [sflag:$0x5], $0x80, s10, s14, $0xb8;
	[tilespmem:$0x1E080] =	vst v63  }
0x101: {  	_ =	swait.ge [sflag:s28], $0x1900  }
0x102: {  	s15 =	simm.s32 $0x4000;
	[sflag:s28] =	ssyncset.done $0x0  }
0x103: {  	s23 =	simm.s32 $0x2080;
	[sflag:s28] =	ssyncadd.s32 $0xFFFFE700;
	s28 =	simm.s32 $0x3  }
0x104: {  	[spmem:s3] =	stream.indirect.scatter.add.f32 [tilespmem:s15], [sflag:$0x6], $0x80, s23, s14, $0xb8;
	[tilespmem:$0x1E080] =	vst v63  }
0x105: {  	_ =	swait.ge [sflag:s28], $0x1900  }
0x106: {  	[sflag:s28] =	ssyncset.done $0x0  }
0x107: {  	s17 =	simm.s32 $0x5C00;
	s24 =	simm.s32 $0x2100;
	[sflag:s28] =	ssyncadd.s32 $0xFFFFE700  }
0x108: {  	[spmem:s3] =	stream.indirect.scatter.add.f32 [tilespmem:s17], [sflag:$0x7], $0x80, s24, s14, $0xb8;
	[tilespmem:$0x1E080] =	vst v63  }
0x109: {  	_ =	swait.ge [sflag:s31], $0x1900  }
0x10a: {  	[sflag:s31] =	ssyncset.done $0x0  }
0x10b: {  	s25 =	simm.s32 $0x2180;
	[sflag:s31] =	ssyncadd.s32 $0xFFFFE700  }
0x10c: {  	[spmem:s3] =	stream.indirect.scatter.add.f32 [tilespmem:s20], [sflag:$0x8], $0x80, s25, s14, $0xb8;
	[tilespmem:$0x1E080] =	vst v63  }
0x10d: {  	_ =	swait.ge [sflag:s18], $0x200  }
0x10e: {  	[sflag:s18] =	ssyncset.done $0x0  }
0x10f: {  	[sflag:s18] =	ssyncadd.s32 $0xFFFFFE00  }
0x110: {  	_ =	swait.ge [sflag:s8], $0x200  }
0x111: {  	[sflag:s8] =	ssyncset.done $0x0  }
0x112: {  	[sflag:s8] =	ssyncadd.s32 $0xFFFFFE00  }
0x113: {  	_ =	swait.ge [sflag:s12], $0x1900  }
0x114: {  	[sflag:s12] =	ssyncset.done $0x0  }
0x115: {  	[sflag:s12] =	ssyncadd.s32 $0xFFFFE700  }
0x116: {  	[tilespmem:s4], [sflag:$0x1] =	stream.indirect.gather [hbm4b:s1+s14], $0x80, s30, s14, $0xb8;
	[tilespmem:$0x1E080] =	vst v63  }
0x117: {  	_ =	swait.ge [sflag:s2], $0x1900  }
0x118: {  	[sflag:s2] =	ssyncset.done $0x0  }
0x119: {  	s7 =	rddreg [dreg:$0x8];
	[sflag:s2] =	ssyncadd.s32 $0xFFFFE700  }
0x11a: {  	[tilespmem:s15], [sflag:$0x2] =	stream.indirect.gather [hbm4b:s1+s14], $0x80, s7, s14, $0xb8;
	[tilespmem:$0x1E080] =	vst v63  }
0x11b: {  	_ =	swait.ge [sflag:s6], $0x1900  }
0x11c: {  	[sflag:s6] =	ssyncset.done $0x0  }
0x11d: {  	s10 =	rddreg [dreg:$0x9];
	[sflag:s6] =	ssyncadd.s32 $0xFFFFE700  }
0x11e: {  	[tilespmem:s17], [sflag:$0x3] =	stream.indirect.gather [hbm4b:s1+s14], $0x80, s10, s14, $0xb8;
	[tilespmem:$0x1E080] =	vst v63  }
0x11f: {  	s21 =	sadd.s32 $0x400, s21;
	_ =	swait.ge [sflag:s22], $0x1900  }
0x120: {  	p1 =	seq.s32 s29, $0xC00;
	s15 =	simm.s32 $0x7800;
	[sflag:s22] =	ssyncset.done $0x0  }
0x121: {  	s7 =	sshrl.u32 @!p1 s21, $0x3;
	s20 =	rddreg [dreg:$0xa];
	[sflag:s22] =	ssyncadd.s32 $0xFFFFE700  }
0x122: {  	[tilespmem:s15], [sflag:$0x4] =	stream.indirect.gather [hbm4b:s1+s14], $0x80, s20, s14, $0xb8;
	[tilespmem:$0x1E080] =	vst v63  }
0x123: {  	s23 =	simm.s32 @!p1 $0x0;
	s24 =	simm.s32 @!p1 $0x1C00;
	s0 =	sadd.s32 @!p1 s11, s7  }
0x124: {  	[tilespmem:s24], [sflag:$0x9] =	stream.linear.gather @!p1 [hbm4b:s0+s23], $0x200, $0x38;
	[tilespmem:$0x1E080] =	vst v63  }
0x125: {  	s25 =	simm.s32 @!p1 $0x2000;
	s7 =	sadd.s32 @!p1 s19, s7  }
0x126: {  	[tilespmem:s25], [sflag:$0xB] =	stream.linear.gather @!p1 [hbm4b:s7+s23], $0x200, $0x38;
	[tilespmem:$0x1E080] =	vst v63  }
0x127: {  	s23 =	simm.s32 $0x1  }
0x128: {  	_ =	swait.ge [sflag:s23], $0x1900  }
0x129: {  	[sflag:s23] =	ssyncset.done $0x0  }
0x12a: {  	s17 =	simm.s32 $0x2200;
	s10 =	simm.s32 $0x2;
	[sflag:s23] =	ssyncadd.s32 $0xFFFFE700  }
0x12b: {  	[spmem:s3] =	stream.indirect.scatter.add.f32 [tilespmem:s4], [sflag:$0x5], $0x80, s17, s14, $0xb8;
	[tilespmem:$0x1E080] =	vst v63  }
0x12c: {  	_ =	swait.ge [sflag:s10], $0x1900  }
0x12d: {  	s16 =	sadd.s32 $0x80, s16;
	[sflag:s10] =	ssyncset.done $0x0  }
0x12e: {  	s29 =	simm.s32 $0x2280;
	s24 =	simm.s32 $0x4000;
	[sflag:s10] =	ssyncadd.s32 $0xFFFFE700  }
0x12f: {  	[spmem:s3] =	stream.indirect.scatter.add.f32 [tilespmem:s24], [sflag:$0x6], $0x80, s29, s14, $0xb8;
	[tilespmem:$0x1E080] =	vst v63  }
0x130: {  	p0 =	sne.s32 s16, $0xC80;
	_ =	swait.ge [sflag:s28], $0x1900  }
.Ltmp0:
0x131: {  	[sflag:s28] =	ssyncset.done $0x0;
	(pc) =	sbr.rel @p0 .LBB2_2-.Ltmp0, $4  }
0x132: {  	s20 =	simm.s32 $0x2300;
	s7 =	simm.s32 $0x5C00;
	[sflag:s28] =	ssyncadd.s32 $0xFFFFE700  }
0x133: {  	[spmem:s3] =	stream.indirect.scatter.add.f32 [tilespmem:s7], [sflag:$0x7], $0x80, s20, s14, $0xb8;
	[tilespmem:$0x1E080] =	vst v63  }
0x134: {  	_ =	swait.ge [sflag:s31], $0x1900  }
0x135: {  	s13 =	simm.s32 $0xB;
	s25 =	simm.s32 $0x2380;
	[sflag:s31] =	ssyncset.done $0x0  }
0x136: {  	[sflag:s31] =	ssyncadd.s32 $0xFFFFE700  }
0x137: {  	[spmem:s3] =	stream.indirect.scatter.add.f32 [tilespmem:s15], [sflag:$0x8], $0x80, s25, s14, $0xb8;
	[tilespmem:$0x1E080] =	vst v63  }
0x138: {  	_ =	swait.ge [sflag:s12], $0x1900  }
0x139: {  	[sflag:s12] =	ssyncset.done $0x0  }
0x13a: {  	[sflag:s12] =	ssyncadd.s32 $0xFFFFE700  }
0x13b: {  	_ =	swait.ge [sflag:s2], $0x1900  }
0x13c: {  	[sflag:s2] =	ssyncset.done $0x0  }
0x13d: {  	[sflag:s2] =	ssyncadd.s32 $0xFFFFE700  }
0x13e: {  	_ =	swait.ge [sflag:s6], $0x1900  }
0x13f: {  	[sflag:s6] =	ssyncset.done $0x0  }
0x140: {  	[sflag:s6] =	ssyncadd.s32 $0xFFFFE700  }
0x141: {  	_ =	swait.ge [sflag:s22], $0x1900  }
0x142: {  	[sflag:s22] =	ssyncset.done $0x0  }
0x143: {  	[sflag:s22] =	ssyncadd.s32 $0xFFFFE700  }
0x144: {  	[bflag:$0x0] =	sbarrier.arrive $0xFFFF  }
0x145: {  	s20 =	simm.s32 $0x9400;
	s29 =	rddreg [dreg:$0x10]  }
0x146: {  	[tilespmem:s20], [sflag:$0xD] =	stream.linear.gather [spmem:s29], $0x1400, $0x38;
	[tilespmem:$0x1E080] =	vst v63  }
0x147: {  	_ =	swait.ge [sflag:s9], $0x1400  }
0x148: {  	[sflag:s9] =	ssyncset.done $0x0;
	s7 =	rddreg [dreg:$0x1a]  }
0x149: {  	[sflag:s9] =	ssyncadd.s32 $0xFFFFEC00;
	s0 =	sadd.s32 $0x0, s7  }
0x14a: {  	[hbm4b:s0+s5] =	stream.linear.scatter [tilespmem:s20], [sflag:$0xD], $0x1400, $0x38;
	[tilespmem:$0x1E080] =	vst v63  }
0x14b: {  	_ =	swait.ge [sflag:s9], $0x1400  }
0x14c: {  	s16 =	simm.s32 $0x280;
	s21 =	smov.u32 s29;
	[sflag:s9] =	ssyncset.done $0x0  }
.LBB2_4:
0x14d: {  	p0 =	sne.s32 s16, $0x2580;
	[sflag:s9] =	ssyncadd.s32 $0xFFFFEC00;
	s21 =	sadd.s32 $0x1400, s21  }
0x14e: {  	[tilespmem:s20], [sflag:$0xD] =	stream.linear.gather [spmem:s21], $0x1400, $0x38;
	[tilespmem:$0x1E080] =	vst v63  }
0x14f: {  	s0 =	smov.u32 s16;
	s16 =	sadd.s32 $0x280, s16;
	_ =	swait.ge [sflag:s9], $0x1400  }
.Ltmp1:
0x150: {  	[sflag:s9] =	ssyncset.done $0x0;
	(pc) =	sbr.rel @p0 .LBB2_4-.Ltmp1, $4  }
0x151: {  	s0 =	sadd.s32 s0, s7;
	[sflag:s9] =	ssyncadd.s32 $0xFFFFEC00  }
0x152: {  	[hbm4b:s0+s5] =	stream.linear.scatter [tilespmem:s20], [sflag:$0xD], $0x1400, $0x38;
	[tilespmem:$0x1E080] =	vst v63  }
0x153: {  	_ =	swait.ge [sflag:s9], $0x1400  }
0x154: {  	[sflag:s9] =	ssyncset.done $0x0  }
0x155: {  	[sflag:s9] =	ssyncadd.s32 $0xFFFFEC00  }
0x156: {  	[bflag:$0x0] =	sbarrier.arrive $0xFFFF  }
0x157: {  	s16 =	simm.s32 $0x0;
	s0 =	rddreg [dreg:$0xb]  }
0x158: {  	[tilespmem:s20], [sflag:$0xD] =	stream.linear.gather [hbm4b:s0+s16], $0x1400, $0x38;
	[tilespmem:$0x1E080] =	vst v63  }
0x159: {  	_ =	swait.ge [sflag:s9], $0x1400  }
0x15a: {  	[sflag:s9] =	ssyncset.done $0x0  }
0x15b: {  	[sflag:s9] =	ssyncadd.s32 $0xFFFFEC00  }
0x15c: {  	[spmem:s29] =	stream.linear.scatter [tilespmem:s20], [sflag:$0xD], $0x1400, $0x38;
	[tilespmem:$0x1E080] =	vst v63  }
0x15d: {  	_ =	swait.ge [sflag:s9], $0x1400  }
0x15e: {  	[sflag:s9] =	ssyncset.done $0x0  }
0x15f: {  	s21 =	rddreg [dreg:$0x11];
	[sflag:s9] =	ssyncadd.s32 $0xFFFFEC00  }
0x160: {  	[spmem:s21] =	stream.linear.scatter [tilespmem:s20], [sflag:$0xD], $0x1400, $0x38;
	[tilespmem:$0x1E080] =	vst v63  }
0x161: {  	_ =	swait.ge [sflag:s9], $0x1400  }
0x162: {  	[sflag:s9] =	ssyncset.done $0x0  }
0x163: {  	s23 =	rddreg [dreg:$0x12];
	[sflag:s9] =	ssyncadd.s32 $0xFFFFEC00  }
0x164: {  	[spmem:s23] =	stream.linear.scatter [tilespmem:s20], [sflag:$0xD], $0x1400, $0x38;
	[tilespmem:$0x1E080] =	vst v63  }
0x165: {  	_ =	swait.ge [sflag:s9], $0x1400  }
0x166: {  	[sflag:s9] =	ssyncset.done $0x0  }
0x167: {  	s24 =	rddreg [dreg:$0x13];
	[sflag:s9] =	ssyncadd.s32 $0xFFFFEC00  }
0x168: {  	[spmem:s24] =	stream.linear.scatter [tilespmem:s20], [sflag:$0xD], $0x1400, $0x38;
	[tilespmem:$0x1E080] =	vst v63  }
0x169: {  	_ =	swait.ge [sflag:s9], $0x1400  }
0x16a: {  	[sflag:s9] =	ssyncset.done $0x0  }
0x16b: {  	s25 =	rddreg [dreg:$0x14];
	[sflag:s9] =	ssyncadd.s32 $0xFFFFEC00  }
0x16c: {  	[spmem:s25] =	stream.linear.scatter [tilespmem:s20], [sflag:$0xD], $0x1400, $0x38;
	[tilespmem:$0x1E080] =	vst v63  }
0x16d: {  	_ =	swait.ge [sflag:s9], $0x1400  }
0x16e: {  	[sflag:s9] =	ssyncset.done $0x0  }
0x16f: {  	s26 =	rddreg [dreg:$0x15];
	[sflag:s9] =	ssyncadd.s32 $0xFFFFEC00  }
0x170: {  	[spmem:s26] =	stream.linear.scatter [tilespmem:s20], [sflag:$0xD], $0x1400, $0x38;
	[tilespmem:$0x1E080] =	vst v63  }
0x171: {  	_ =	swait.ge [sflag:s9], $0x1400  }
0x172: {  	[sflag:s9] =	ssyncset.done $0x0  }
0x173: {  	s4 =	rddreg [dreg:$0x16];
	[sflag:s9] =	ssyncadd.s32 $0xFFFFEC00  }
0x174: {  	[spmem:s4] =	stream.linear.scatter [tilespmem:s20], [sflag:$0xD], $0x1400, $0x38;
	[tilespmem:$0x1E080] =	vst v63  }
0x175: {  	_ =	swait.ge [sflag:s9], $0x1400  }
0x176: {  	[sflag:s9] =	ssyncset.done $0x0  }
0x177: {  	s7 =	rddreg [dreg:$0x17];
	[sflag:s9] =	ssyncadd.s32 $0xFFFFEC00  }
0x178: {  	[spmem:s7] =	stream.linear.scatter [tilespmem:s20], [sflag:$0xD], $0x1400, $0x38;
	[tilespmem:$0x1E080] =	vst v63  }
0x179: {  	_ =	swait.ge [sflag:s9], $0x1400  }
0x17a: {  	[sflag:s9] =	ssyncset.done $0x0  }
0x17b: {  	s11 =	rddreg [dreg:$0x1e];
	[sflag:s9] =	ssyncadd.s32 $0xFFFFEC00  }
0x17c: {  	[spmem:s11] =	stream.linear.scatter [tilespmem:s20], [sflag:$0xD], $0x1400, $0x38;
	[tilespmem:$0x1E080] =	vst v63  }
0x17d: {  	_ =	swait.ge [sflag:s9], $0x1400  }
0x17e: {  	[sflag:s9] =	ssyncset.done $0x0  }
0x17f: {  	s18 =	rddreg [dreg:$0x1f];
	[sflag:s9] =	ssyncadd.s32 $0xFFFFEC00  }
0x180: {  	[spmem:s18] =	stream.linear.scatter [tilespmem:s20], [sflag:$0xD], $0x1400, $0x38;
	[tilespmem:$0x1E080] =	vst v63  }
0x181: {  	_ =	swait.ge [sflag:s9], $0x1400  }
0x182: {  	s19 =	sld [smem:$0x7F6]  }
0x183: {  	[sflag:s9] =	ssyncset.done $0x0  }
0x184: {  	[sflag:s9] =	ssyncadd.s32 $0xFFFFEC00  }
0x185: {  	[spmem:s19] =	stream.linear.scatter [tilespmem:s20], [sflag:$0xD], $0x1400, $0x38;
	[tilespmem:$0x1E080] =	vst v63  }
0x186: {  	_ =	swait.ge [sflag:s9], $0x1400  }
0x187: {  	s21 =	sld [smem:$0x7F7]  }
0x188: {  	[sflag:s9] =	ssyncset.done $0x0  }
0x189: {  	[sflag:s9] =	ssyncadd.s32 $0xFFFFEC00  }
0x18a: {  	[spmem:s21] =	stream.linear.scatter [tilespmem:s20], [sflag:$0xD], $0x1400, $0x38;
	[tilespmem:$0x1E080] =	vst v63  }
0x18b: {  	_ =	swait.ge [sflag:s9], $0x1400  }
0x18c: {  	s23 =	sld [smem:$0x7F8]  }
0x18d: {  	[sflag:s9] =	ssyncset.done $0x0  }
0x18e: {  	[sflag:s9] =	ssyncadd.s32 $0xFFFFEC00  }
0x18f: {  	[spmem:s23] =	stream.linear.scatter [tilespmem:s20], [sflag:$0xD], $0x1400, $0x38;
	[tilespmem:$0x1E080] =	vst v63  }
0x190: {  	_ =	swait.ge [sflag:s9], $0x1400  }
0x191: {  	s24 =	sld [smem:$0x7F9]  }
0x192: {  	[sflag:s9] =	ssyncset.done $0x0  }
0x193: {  	[sflag:s9] =	ssyncadd.s32 $0xFFFFEC00  }
0x194: {  	[spmem:s24] =	stream.linear.scatter [tilespmem:s20], [sflag:$0xD], $0x1400, $0x38;
	[tilespmem:$0x1E080] =	vst v63  }
0x195: {  	_ =	swait.ge [sflag:s9], $0x1400  }
0x196: {  	s25 =	sld [smem:$0x7FA]  }
0x197: {  	[sflag:s9] =	ssyncset.done $0x0  }
0x198: {  	[sflag:s9] =	ssyncadd.s32 $0xFFFFEC00  }
0x199: {  	[spmem:s25] =	stream.linear.scatter [tilespmem:s20], [sflag:$0xD], $0x1400, $0x38;
	[tilespmem:$0x1E080] =	vst v63  }
0x19a: {  	_ =	swait.ge [sflag:s9], $0x1400  }
0x19b: {  	s26 =	sld [smem:$0x7FB]  }
0x19c: {  	[sflag:s9] =	ssyncset.done $0x0  }
0x19d: {  	[sflag:s9] =	ssyncadd.s32 $0xFFFFEC00  }
0x19e: {  	[spmem:s26] =	stream.linear.scatter [tilespmem:s20], [sflag:$0xD], $0x1400, $0x38;
	[tilespmem:$0x1E080] =	vst v63  }
0x19f: {  	_ =	swait.ge [sflag:s9], $0x1400  }
0x1a0: {  	[sflag:s9] =	ssyncset.done $0x0  }
0x1a1: {  	[sflag:s9] =	ssyncadd.s32 $0xFFFFEC00  }
0x1a2: {  	[bflag:$0x0] =	sbarrier.arrive $0xFFFF  }
0x1a3: {  	s24 =	simm.s32 $0x2000;
	s4 =	rddreg [dreg:$0xe]  }
0x1a4: {  	[tilespmem:s24], [sflag:$0xB] =	stream.linear.gather [hbm4b:s4+s16], $0x200, $0x38;
	[tilespmem:$0x1E080] =	vst v63  }
0x1a5: {  	_ =	swait.ge [sflag:s13], $0x200  }
0x1a6: {  	[sflag:s13] =	ssyncset.done $0x0  }
0x1a7: {  	s7 =	rddreg [dreg:$0x18];
	[sflag:s13] =	ssyncadd.s32 $0xFFFFFE00  }
0x1a8: {  	[tilespmem:s17], [sflag:$0xC] =	stream.linear.gather [hbm4b:s7+s16], $0x200, $0x38;
	[tilespmem:$0x1E080] =	vst v63  }
0x1a9: {  	_ = 	snop  }
0x1aa: {  	[spmem:s3] =	stream.indirect.scatter.add.f32 [tilespmem:s16], [sflag:$0x5], $0x80, s24, s14, $0xb8;
	[tilespmem:$0x1E080] =	vst v63  }
0x1ab: {  	s4 =	simm.s32 $0x2080  }
0x1ac: {  	[spmem:s3] =	stream.indirect.scatter.add.f32 [tilespmem:s16], [sflag:$0x6], $0x80, s4, s14, $0xb8;
	[tilespmem:$0x1E080] =	vst v63  }
0x1ad: {  	s26 =	simm.s32 $0x2100  }
0x1ae: {  	[spmem:s3] =	stream.indirect.scatter.add.f32 [tilespmem:s16], [sflag:$0x7], $0x80, s26, s14, $0xb8;
	[tilespmem:$0x1E080] =	vst v63  }
0x1af: {  	s23 =	simm.s32 $0x2180  }
0x1b0: {  	[spmem:s3] =	stream.indirect.scatter.add.f32 [tilespmem:s16], [sflag:$0x8], $0x80, s23, s14, $0xb8;
	[tilespmem:$0x1E080] =	vst v63  }
0x1b1: {  	_ =	swait.ge [sflag:s8], $0x200  }
0x1b2: {  	[sflag:s8] =	ssyncset.done $0x0  }
0x1b3: {  	[sflag:s8] =	ssyncadd.s32 $0xFFFFFE00  }
0x1b4: {  	_ =	swait.ge [sflag:s12], $0x1900  }
0x1b5: {  	[sflag:s12] =	ssyncset.done $0x0  }
0x1b6: {  	[sflag:s12] =	ssyncadd.s32 $0xFFFFE700  }
0x1b7: {  	_ =	swait.ge [sflag:s2], $0x1900  }
0x1b8: {  	[sflag:s2] =	ssyncset.done $0x0  }
0x1b9: {  	[sflag:s2] =	ssyncadd.s32 $0xFFFFE700  }
0x1ba: {  	_ =	swait.ge [sflag:s6], $0x1900  }
0x1bb: {  	[sflag:s6] =	ssyncset.done $0x0  }
0x1bc: {  	[sflag:s6] =	ssyncadd.s32 $0xFFFFE700  }
0x1bd: {  	_ =	swait.ge [sflag:s22], $0x1900  }
0x1be: {  	s11 =	sld [smem:$0x7FC]  }
0x1bf: {  	[sflag:s22] =	ssyncset.done $0x0  }
0x1c0: {  	[sflag:s22] =	ssyncadd.s32 $0xFFFFE700  }
0x1c1: {  	[tilespmem:s24], [sflag:$0xB] =	stream.linear.gather [hbm4b:s11+s16], $0x200, $0x38;
	[tilespmem:$0x1E080] =	vst v63  }
0x1c2: {  	_ = 	snop  }
0x1c3: {  	[spmem:s3] =	stream.indirect.scatter.add.f32 [tilespmem:s16], [sflag:$0x5], $0x80, s17, s14, $0xb8;
	[tilespmem:$0x1E080] =	vst v63  }
0x1c4: {  	s18 =	simm.s32 $0x2280  }
0x1c5: {  	[spmem:s3] =	stream.indirect.scatter.add.f32 [tilespmem:s16], [sflag:$0x6], $0x80, s18, s14, $0xb8;
	[tilespmem:$0x1E080] =	vst v63  }
0x1c6: {  	s25 =	simm.s32 $0x2300  }
0x1c7: {  	[spmem:s3] =	stream.indirect.scatter.add.f32 [tilespmem:s16], [sflag:$0x7], $0x80, s25, s14, $0xb8;
	[tilespmem:$0x1E080] =	vst v63  }
0x1c8: {  	s30 =	simm.s32 $0x2380  }
0x1c9: {  	[spmem:s3] =	stream.indirect.scatter.add.f32 [tilespmem:s16], [sflag:$0x8], $0x80, s30, s14, $0xb8;
	[tilespmem:$0x1E080] =	vst v63  }
0x1ca: {  	_ =	swait.ge [sflag:s13], $0x200  }
0x1cb: {  	[sflag:s13] =	ssyncset.done $0x0  }
0x1cc: {  	[sflag:s13] =	ssyncadd.s32 $0xFFFFFE00  }
0x1cd: {  	_ =	swait.ge [sflag:s12], $0x1900  }
0x1ce: {  	[sflag:s12] =	ssyncset.done $0x0  }
0x1cf: {  	[sflag:s12] =	ssyncadd.s32 $0xFFFFE700  }
0x1d0: {  	_ =	swait.ge [sflag:s2], $0x1900  }
0x1d1: {  	[sflag:s2] =	ssyncset.done $0x0  }
0x1d2: {  	[sflag:s2] =	ssyncadd.s32 $0xFFFFE700  }
0x1d3: {  	_ =	swait.ge [sflag:s6], $0x1900  }
0x1d4: {  	[sflag:s6] =	ssyncset.done $0x0  }
0x1d5: {  	[sflag:s6] =	ssyncadd.s32 $0xFFFFE700  }
0x1d6: {  	_ =	swait.ge [sflag:s22], $0x1900  }
0x1d7: {  	[sflag:s22] =	ssyncset.done $0x0;
	s11 =	rddreg [dreg:$0x1c]  }
0x1d8: {  	[sflag:s22] =	ssyncadd.s32 $0xFFFFE700;
	s16 =	sadd.s32 $0x0, s11  }
0x1d9: {  	[tilespmem:s17], [sflag:$0xC] =	stream.linear.gather [hbm4b:s16+s5], $0x200, $0x38;
	[tilespmem:$0x1E080] =	vst v63  }
0x1da: {  	_ = 	snop  }
0x1db: {  	[spmem:s3] =	stream.indirect.scatter.add.f32 [tilespmem:s5], [sflag:$0x5], $0x80, s24, s14, $0xb8;
	[tilespmem:$0x1E080] =	vst v63  }
0x1dc: {  	_ = 	snop  }
0x1dd: {  	[spmem:s3] =	stream.indirect.scatter.add.f32 [tilespmem:s5], [sflag:$0x6], $0x80, s4, s14, $0xb8;
	[tilespmem:$0x1E080] =	vst v63  }
0x1de: {  	_ = 	snop  }
0x1df: {  	[spmem:s3] =	stream.indirect.scatter.add.f32 [tilespmem:s5], [sflag:$0x7], $0x80, s26, s14, $0xb8;
	[tilespmem:$0x1E080] =	vst v63  }
0x1e0: {  	_ = 	snop  }
0x1e1: {  	[spmem:s3] =	stream.indirect.scatter.add.f32 [tilespmem:s5], [sflag:$0x8], $0x80, s23, s14, $0xb8;
	[tilespmem:$0x1E080] =	vst v63  }
0x1e2: {  	_ =	swait.ge [sflag:s8], $0x200  }
0x1e3: {  	[sflag:s8] =	ssyncset.done $0x0  }
0x1e4: {  	[sflag:s8] =	ssyncadd.s32 $0xFFFFFE00  }
0x1e5: {  	_ =	swait.ge [sflag:s12], $0x1900  }
0x1e6: {  	[sflag:s12] =	ssyncset.done $0x0  }
0x1e7: {  	[sflag:s12] =	ssyncadd.s32 $0xFFFFE700  }
0x1e8: {  	_ =	swait.ge [sflag:s2], $0x1900  }
0x1e9: {  	[sflag:s2] =	ssyncset.done $0x0  }
0x1ea: {  	[sflag:s2] =	ssyncadd.s32 $0xFFFFE700  }
0x1eb: {  	_ =	swait.ge [sflag:s6], $0x1900  }
0x1ec: {  	[sflag:s6] =	ssyncset.done $0x0  }
0x1ed: {  	[sflag:s6] =	ssyncadd.s32 $0xFFFFE700  }
0x1ee: {  	_ =	swait.ge [sflag:s22], $0x1900  }
0x1ef: {  	[sflag:s22] =	ssyncset.done $0x0;
	s21 =	rddreg [dreg:$0x1b]  }
0x1f0: {  	[sflag:s22] =	ssyncadd.s32 $0xFFFFE700;
	s19 =	sadd.s32 $0x0, s21  }
0x1f1: {  	[tilespmem:s24], [sflag:$0xB] =	stream.linear.gather [hbm4b:s19+s5], $0x200, $0x38;
	[tilespmem:$0x1E080] =	vst v63  }
0x1f2: {  	_ = 	snop  }
0x1f3: {  	[spmem:s3] =	stream.indirect.scatter.add.f32 [tilespmem:s5], [sflag:$0x5], $0x80, s17, s14, $0xb8;
	[tilespmem:$0x1E080] =	vst v63  }
0x1f4: {  	_ = 	snop  }
0x1f5: {  	[spmem:s3] =	stream.indirect.scatter.add.f32 [tilespmem:s5], [sflag:$0x6], $0x80, s18, s14, $0xb8;
	[tilespmem:$0x1E080] =	vst v63  }
0x1f6: {  	s16 =	simm.s32 $0x80;
	s19 =	smov.u32 s21  }
0x1f7: {  	[spmem:s3] =	stream.indirect.scatter.add.f32 [tilespmem:s5], [sflag:$0x7], $0x80, s25, s14, $0xb8;
	[tilespmem:$0x1E080] =	vst v63  }
.LBB2_6:
0x1f8: {  	[spmem:s3] =	stream.indirect.scatter.add.f32 [tilespmem:s5], [sflag:$0x8], $0x80, s30, s14, $0xb8;
	[tilespmem:$0x1E080] =	vst v63  }
0x1f9: {  	s21 =	smov.u32 s16  }
0x1fa: {  	p0 =	sne.s32 s16, $0xB00;
	s16 =	sadd.s32 $0x80, s16;
	_ =	swait.ge [sflag:s13], $0x200  }
0x1fb: {  	[sflag:s13] =	ssyncset.done $0x0  }
0x1fc: {  	[sflag:s13] =	ssyncadd.s32 $0xFFFFFE00  }
0x1fd: {  	_ =	swait.ge [sflag:s12], $0x1900  }
0x1fe: {  	[sflag:s12] =	ssyncset.done $0x0  }
0x1ff: {  	[sflag:s12] =	ssyncadd.s32 $0xFFFFE700  }
0x200: {  	_ =	swait.ge [sflag:s2], $0x1900  }
0x201: {  	[sflag:s2] =	ssyncset.done $0x0  }
0x202: {  	[sflag:s2] =	ssyncadd.s32 $0xFFFFE700  }
0x203: {  	_ =	swait.ge [sflag:s6], $0x1900  }
0x204: {  	[sflag:s6] =	ssyncset.done $0x0  }
0x205: {  	[sflag:s6] =	ssyncadd.s32 $0xFFFFE700  }
0x206: {  	_ =	swait.ge [sflag:s22], $0x1900  }
0x207: {  	[sflag:s22] =	ssyncset.done $0x0  }
0x208: {  	s0 =	sadd.s32 s21, s11;
	[sflag:s22] =	ssyncadd.s32 $0xFFFFE700  }
0x209: {  	[tilespmem:s17], [sflag:$0xC] =	stream.linear.gather [hbm4b:s0+s5], $0x200, $0x38;
	[tilespmem:$0x1E080] =	vst v63  }
0x20a: {  	_ = 	snop  }
0x20b: {  	[spmem:s3] =	stream.indirect.scatter.add.f32 [tilespmem:s5], [sflag:$0x5], $0x80, s24, s14, $0xb8;
	[tilespmem:$0x1E080] =	vst v63  }
0x20c: {  	_ = 	snop  }
0x20d: {  	[spmem:s3] =	stream.indirect.scatter.add.f32 [tilespmem:s5], [sflag:$0x6], $0x80, s4, s14, $0xb8;
	[tilespmem:$0x1E080] =	vst v63  }
0x20e: {  	_ = 	snop  }
0x20f: {  	[spmem:s3] =	stream.indirect.scatter.add.f32 [tilespmem:s5], [sflag:$0x7], $0x80, s26, s14, $0xb8;
	[tilespmem:$0x1E080] =	vst v63  }
0x210: {  	_ = 	snop  }
0x211: {  	[spmem:s3] =	stream.indirect.scatter.add.f32 [tilespmem:s5], [sflag:$0x8], $0x80, s23, s14, $0xb8;
	[tilespmem:$0x1E080] =	vst v63  }
0x212: {  	_ =	swait.ge [sflag:s8], $0x200  }
0x213: {  	[sflag:s8] =	ssyncset.done $0x0  }
0x214: {  	[sflag:s8] =	ssyncadd.s32 $0xFFFFFE00  }
0x215: {  	_ =	swait.ge [sflag:s12], $0x1900  }
0x216: {  	[sflag:s12] =	ssyncset.done $0x0  }
0x217: {  	[sflag:s12] =	ssyncadd.s32 $0xFFFFE700  }
0x218: {  	_ =	swait.ge [sflag:s2], $0x1900  }
0x219: {  	[sflag:s2] =	ssyncset.done $0x0  }
0x21a: {  	[sflag:s2] =	ssyncadd.s32 $0xFFFFE700  }
0x21b: {  	_ =	swait.ge [sflag:s6], $0x1900  }
0x21c: {  	[sflag:s6] =	ssyncset.done $0x0  }
0x21d: {  	[sflag:s6] =	ssyncadd.s32 $0xFFFFE700  }
0x21e: {  	_ =	swait.ge [sflag:s22], $0x1900  }
0x21f: {  	[sflag:s22] =	ssyncset.done $0x0  }
0x220: {  	s0 =	sadd.s32 s21, s19;
	[sflag:s22] =	ssyncadd.s32 $0xFFFFE700  }
0x221: {  	[tilespmem:s24], [sflag:$0xB] =	stream.linear.gather [hbm4b:s0+s5], $0x200, $0x38;
	[tilespmem:$0x1E080] =	vst v63  }
0x222: {  	_ = 	snop  }
0x223: {  	[spmem:s3] =	stream.indirect.scatter.add.f32 [tilespmem:s5], [sflag:$0x5], $0x80, s17, s14, $0xb8;
	[tilespmem:$0x1E080] =	vst v63  }
.Ltmp2:
0x224: {  	_ = 	snop;
	(pc) =	sbr.rel @p0 .LBB2_6-.Ltmp2, $4  }
0x225: {  	_ = 	snop  }
0x226: {  	[spmem:s3] =	stream.indirect.scatter.add.f32 [tilespmem:s5], [sflag:$0x6], $0x80, s18, s14, $0xb8;
	[tilespmem:$0x1E080] =	vst v63  }
0x227: {  	_ = 	snop  }
0x228: {  	[spmem:s3] =	stream.indirect.scatter.add.f32 [tilespmem:s5], [sflag:$0x7], $0x80, s25, s14, $0xb8;
	[tilespmem:$0x1E080] =	vst v63  }
0x229: {  	[spmem:s3] =	stream.indirect.scatter.add.f32 [tilespmem:s5], [sflag:$0x8], $0x80, s30, s14, $0xb8;
	[tilespmem:$0x1E080] =	vst v63  }
0x22a: {  	_ =	swait.ge [sflag:s13], $0x200  }
0x22b: {  	[sflag:s13] =	ssyncset.done $0x0  }
0x22c: {  	[sflag:s13] =	ssyncadd.s32 $0xFFFFFE00  }
0x22d: {  	_ =	swait.ge [sflag:s12], $0x1900  }
0x22e: {  	[sflag:s12] =	ssyncset.done $0x0  }
0x22f: {  	[sflag:s12] =	ssyncadd.s32 $0xFFFFE700  }
0x230: {  	_ =	swait.ge [sflag:s2], $0x1900  }
0x231: {  	[sflag:s2] =	ssyncset.done $0x0  }
0x232: {  	[sflag:s2] =	ssyncadd.s32 $0xFFFFE700  }
0x233: {  	_ =	swait.ge [sflag:s6], $0x1900  }
0x234: {  	[sflag:s6] =	ssyncset.done $0x0  }
0x235: {  	[sflag:s6] =	ssyncadd.s32 $0xFFFFE700  }
0x236: {  	_ =	swait.ge [sflag:s22], $0x1900  }
0x237: {  	s11 =	sld [smem:$0x7FD]  }
0x238: {  	[sflag:s22] =	ssyncset.done $0x0  }
0x239: {  	s0 =	simm.s32 $0x0;
	[sflag:s22] =	ssyncadd.s32 $0xFFFFE700  }
0x23a: {  	[tilespmem:s17], [sflag:$0xC] =	stream.linear.gather [hbm4b:s11+s0], $0x200, $0x38;
	[tilespmem:$0x1E080] =	vst v63  }
0x23b: {  	_ = 	snop  }
0x23c: {  	[spmem:s3] =	stream.indirect.scatter.add.f32 [tilespmem:s0], [sflag:$0x5], $0x80, s24, s14, $0xb8;
	[tilespmem:$0x1E080] =	vst v63  }
0x23d: {  	_ = 	snop  }
0x23e: {  	[spmem:s3] =	stream.indirect.scatter.add.f32 [tilespmem:s0], [sflag:$0x6], $0x80, s4, s14, $0xb8;
	[tilespmem:$0x1E080] =	vst v63  }
0x23f: {  	_ = 	snop  }
0x240: {  	[spmem:s3] =	stream.indirect.scatter.add.f32 [tilespmem:s0], [sflag:$0x7], $0x80, s26, s14, $0xb8;
	[tilespmem:$0x1E080] =	vst v63  }
0x241: {  	_ = 	snop  }
0x242: {  	[spmem:s3] =	stream.indirect.scatter.add.f32 [tilespmem:s0], [sflag:$0x8], $0x80, s23, s14, $0xb8;
	[tilespmem:$0x1E080] =	vst v63  }
0x243: {  	_ =	swait.ge [sflag:s8], $0x200  }
0x244: {  	[sflag:s8] =	ssyncset.done $0x0  }
0x245: {  	[sflag:s8] =	ssyncadd.s32 $0xFFFFFE00  }
0x246: {  	_ =	swait.ge [sflag:s12], $0x1900  }
0x247: {  	[sflag:s12] =	ssyncset.done $0x0  }
0x248: {  	[sflag:s12] =	ssyncadd.s32 $0xFFFFE700  }
0x249: {  	_ =	swait.ge [sflag:s2], $0x1900  }
0x24a: {  	[sflag:s2] =	ssyncset.done $0x0  }
0x24b: {  	[sflag:s2] =	ssyncadd.s32 $0xFFFFE700  }
0x24c: {  	_ =	swait.ge [sflag:s6], $0x1900  }
0x24d: {  	[sflag:s6] =	ssyncset.done $0x0  }
0x24e: {  	[sflag:s6] =	ssyncadd.s32 $0xFFFFE700  }
0x24f: {  	_ =	swait.ge [sflag:s22], $0x1900  }
0x250: {  	[sflag:s22] =	ssyncset.done $0x0  }
0x251: {  	[sflag:s22] =	ssyncadd.s32 $0xFFFFE700  }
0x252: {  	[spmem:s3] =	stream.indirect.scatter.add.f32 [tilespmem:s0], [sflag:$0x5], $0x80, s17, s14, $0xb8;
	[tilespmem:$0x1E080] =	vst v63  }
0x253: {  	_ = 	snop  }
0x254: {  	[spmem:s3] =	stream.indirect.scatter.add.f32 [tilespmem:s0], [sflag:$0x6], $0x80, s18, s14, $0xb8;
	[tilespmem:$0x1E080] =	vst v63  }
0x255: {  	_ = 	snop  }
0x256: {  	[spmem:s3] =	stream.indirect.scatter.add.f32 [tilespmem:s0], [sflag:$0x7], $0x80, s25, s14, $0xb8;
	[tilespmem:$0x1E080] =	vst v63  }
0x257: {  	_ = 	snop  }
0x258: {  	[spmem:s3] =	stream.indirect.scatter.add.f32 [tilespmem:s0], [sflag:$0x8], $0x80, s30, s14, $0xb8;
	[tilespmem:$0x1E080] =	vst v63  }
0x259: {  	_ =	swait.ge [sflag:s12], $0x1900  }
0x25a: {  	[sflag:s12] =	ssyncset.done $0x0  }
0x25b: {  	[sflag:s12] =	ssyncadd.s32 $0xFFFFE700  }
0x25c: {  	_ =	swait.ge [sflag:s2], $0x1900  }
0x25d: {  	[sflag:s2] =	ssyncset.done $0x0  }
0x25e: {  	[sflag:s2] =	ssyncadd.s32 $0xFFFFE700  }
0x25f: {  	_ =	swait.ge [sflag:s6], $0x1900  }
0x260: {  	[sflag:s6] =	ssyncset.done $0x0  }
0x261: {  	[sflag:s6] =	ssyncadd.s32 $0xFFFFE700  }
0x262: {  	_ =	swait.ge [sflag:s22], $0x1900  }
0x263: {  	[sflag:s22] =	ssyncset.done $0x0  }
0x264: {  	[sflag:s22] =	ssyncadd.s32 $0xFFFFE700  }
0x265: {  	[bflag:$0x0] =	sbarrier.arrive $0xFFFF  }
0x266: {  	[tilespmem:s20], [sflag:$0xD] =	stream.linear.gather [spmem:s29], $0x1400, $0x38;
	[tilespmem:$0x1E080] =	vst v63  }
0x267: {  	_ =	swait.ge [sflag:s9], $0x1400  }
0x268: {  	[sflag:s9] =	ssyncset.done $0x0;
	s11 =	rddreg [dreg:$0x1d]  }
0x269: {  	[sflag:s9] =	ssyncadd.s32 $0xFFFFEC00;
	s30 =	sadd.s32 $0x0, s11  }
0x26a: {  	[hbm4b:s30+s5] =	stream.linear.scatter [tilespmem:s20], [sflag:$0xD], $0x1400, $0x38;
	[tilespmem:$0x1E080] =	vst v63  }
0x26b: {  	s16 =	simm.s32 $0x280;
	_ =	swait.ge [sflag:s9], $0x1400  }
0x26c: {  	s21 =	smov.u32 s29;
	s25 =	simm.s32 $0x2380;
	[sflag:s9] =	ssyncset.done $0x0  }
.LBB2_8:
0x26d: {  	p0 =	sne.s32 s16, $0x2580;
	[sflag:s9] =	ssyncadd.s32 $0xFFFFEC00;
	s21 =	sadd.s32 $0x1400, s21  }
0x26e: {  	[tilespmem:s20], [sflag:$0xD] =	stream.linear.gather [spmem:s21], $0x1400, $0x38;
	[tilespmem:$0x1E080] =	vst v63  }
0x26f: {  	s0 =	smov.u32 s16;
	s16 =	sadd.s32 $0x280, s16;
	_ =	swait.ge [sflag:s9], $0x1400  }
.Ltmp3:
0x270: {  	[sflag:s9] =	ssyncset.done $0x0;
	(pc) =	sbr.rel @p0 .LBB2_8-.Ltmp3, $4  }
0x271: {  	s0 =	sadd.s32 s0, s11;
	[sflag:s9] =	ssyncadd.s32 $0xFFFFEC00  }
0x272: {  	[hbm4b:s0+s5] =	stream.linear.scatter [tilespmem:s20], [sflag:$0xD], $0x1400, $0x38;
	[tilespmem:$0x1E080] =	vst v63  }
0x273: {  	_ =	swait.ge [sflag:s9], $0x1400  }
0x274: {  	[sflag:s9] =	ssyncset.done $0x0  }
0x275: {  	s26 =	sld [smem:$0x7F4];
	_ =	sdelay $0x2  }
0x276: {  	s0 =	rddreg [dreg:$0xf];
	s26 =	sadd.s32 $0x1, s26  }
0x277: {  	p0 =	sne.s32 s26, s0  }
.Ltmp4:
0x278: {  	_ = 	snop;
	(pc) =	sbr.rel @p0 .LBB2_1-.Ltmp4, $4  }
0x279: {  	_ = 	snop  }
0x27a: {  	[sflag:s9] =	ssyncadd.s32 $0xFFFFEC00  }
0x27b: {  	s16 =	simm.s32 $0x2000;
	s21 =	simm.s32 $0x9;
	s24 =	simm.s32 $0x1E00  }
0x27c: {  	s18 =	simm.s32 $0xA;
	s23 =	simm.s32 $0x1;
	s30 =	rddreg [dreg:$0x1]  }
0x27d: {  	_ =	sfence.sel $0x180000  }
0x27e: {  	[bflag:$0x0] =	sbarrier.arrive $0xFFFF  }
0x27f: {  	_ =	strace $0x90000047  }
0x280: {  	s0 =	stileid.u32;
	[bflag:$0x2] =	sbarrier.arrive $0xFFFF  }
0x281: {  	p0 =	sne.s32 s0, $0x0;
	s0 =	rddreg [dreg:$0x4]  }
0x282: {  	s0 =	sadd.s32 @!p0 $0x100000, s0  }
0x283: {  	[sflag:s0] =	ssyncadd.tile.s32 @!p0 $0x1;
	_ =	shalt  }
.Lfunc_end2:
_tile_overlayer_lowered:
.L_overlay_start_2:
0x284: {  	(tag) =	ssettag $0x2  }
0x285: {  	s0 =	rddreg [dreg:$0x0];
	s2 =	stileid.u32  }
0x286: {  	s1 =	rddreg [dreg:$0x1];
	p0 =	sne.s32 s2, $0x0  }
0x287: {  	s3 =	rddreg [dreg:$0x2];
	[bflag:$0x3] =	sbarrier.arrive $0xFFFF;
	s2 =	simm.s32 @!p0 $0x1C0D  }
0x288: {  	[timem:s3], [sflag:s2] =	dma.local @!p0 [hbm:s0], s1  }
0x289: {  	s0 =	simm.s32 @!p0 $0xD  }
0x28a: {  	_ =	swait.ge @!p0 [sflag:s0], s1  }
0x28b: {  	s1 =	ssub.s32 @!p0 $0x0, s1;
	[sflag:s0] =	ssyncset.done @!p0 $0x0  }
0x28c: {  	[sflag:s0] =	ssyncadd.s32 @!p0 s1  }
0x28d: {  	[bflag:$0x3] =	sbarrier.arrive $0xFFFF  }
0x28e: {  	_ =	shalt  }

</sc_bundles>
